<compile_context>
chip_gen: v7x
topology: tpu7x:2x2x1
jax: 0.10.2.dev20260603
libtpu: 0.0.44.dev20260713+nightly
codegen_flags: <defaults>
</compile_context>

<pallas_src>
import jax
import jax.numpy as jnp
from jax import lax
from jax.experimental import pallas as pl
from jax.experimental.pallas import tpu as pltpu
from jax.experimental.pallas import tpu_sc as plsc

_B = 4
_S = 4096
_D = 1024
_S_TC = 3840
_S_SC = _S - _S_TC
_BS = 512

_NC = 2
_NS = 16
_NW = _NC * _NS
_SW = _S_SC // _NW
_R = min(16, _SW)
_NCHUNK = _SW // _R
_NT = _NCHUNK * _B
_L = 16
_U = 8


def _tc_body(x_ref, pe_ref, o_ref):
    o_ref[...] = x_ref[...] + pe_ref[...]


def _sc_body(x_hbm, pe_hbm, o_hbm,
             pe0, pe1, xb0, xb1, xb2,
             spe0, spe1, si0, si1, si2, so0, so1, so2):
    wid = lax.axis_index("s") * _NC + lax.axis_index("c")
    l0 = wid * _SW
    s0 = _S_TC + l0
    pebufs, spe = (pe0, pe1), (spe0, spe1)
    xbufs, sin, sout = (xb0, xb1, xb2), (si0, si1, si2), (so0, so1, so2)

    def pe_copy(ci):
        return pltpu.make_async_copy(
            pe_hbm.at[pl.ds(s0 + ci * _R, _R)], pebufs[ci % 2], spe[ci % 2])

    def in_copy(t):
        ci, b = t // _B, t % _B
        p = t % 3
        return pltpu.make_async_copy(
            x_hbm.at[b, pl.ds(s0 + ci * _R, _R)], xbufs[p], sin[p])

    def out_copy(t):
        ci, b = t // _B, t % _B
        p = t % 3
        return pltpu.make_async_copy(
            xbufs[p], o_hbm.at[b, pl.ds(l0 + ci * _R, _R)], sout[p])

    pe_copy(0).start()
    in_copy(0).start()
    in_copy(1).start()

    for t in range(_NT):
        ci, b = t // _B, t % _B
        if b == 0:
            pe_copy(ci).wait()
            if ci + 1 < _NCHUNK:
                pe_copy(ci + 1).start()
        in_copy(t).wait()
        xbuf, pebuf = xbufs[t % 3], pebufs[ci % 2]

        def row(r, carry):
            def col(i, c3):
                for u in range(_U):
                    c = (i * _U + u) * _L
                    plsc.addupdate(xbuf.at[r, pl.ds(c, _L)],
                                   pebuf[r, pl.ds(c, _L)])
                return c3
            return lax.fori_loop(0, _D // (_L * _U), col, carry)

        lax.fori_loop(0, _R, row, 0)
        out_copy(t).start()
        if t + 2 < _NT:
            if t >= 1:
                out_copy(t - 1).wait()
            in_copy(t + 2).start()
    out_copy(_NT - 3).wait()
    out_copy(_NT - 2).wait()
    out_copy(_NT - 1).wait()


@jax.jit
def _hybrid_add(x, pe):
    tc_out = pl.pallas_call(
        _tc_body,
        grid=(_S_TC // _BS,),
        in_specs=[
            pl.BlockSpec((_B, _BS, _D), lambda s: (0, s, 0)),
            pl.BlockSpec((_BS, _D), lambda s: (s, 0)),
        ],
        out_specs=pl.BlockSpec((_B, _BS, _D), lambda s: (0, s, 0)),
        out_shape=jax.ShapeDtypeStruct((_B, _S, _D), jnp.float32),
        cost_estimate=pl.CostEstimate(
            flops=_B * _S_TC * _D,
            transcendentals=0,
            bytes_accessed=(2 * _B * _S_TC * _D + _S_TC * _D) * 4,
        ),
    )(x, pe)

    sc_out = pl.kernel(
        _sc_body,
        out_type=jax.ShapeDtypeStruct((_B, _S_SC, _D), jnp.float32),
        mesh=plsc.VectorSubcoreMesh(core_axis_name="c", subcore_axis_name="s"),
        scratch_types=[
            pltpu.VMEM((_R, _D), jnp.float32),
            pltpu.VMEM((_R, _D), jnp.float32),
            pltpu.VMEM((_R, _D), jnp.float32),
            pltpu.VMEM((_R, _D), jnp.float32),
            pltpu.VMEM((_R, _D), jnp.float32),
            pltpu.SemaphoreType.DMA,
            pltpu.SemaphoreType.DMA,
            pltpu.SemaphoreType.DMA,
            pltpu.SemaphoreType.DMA,
            pltpu.SemaphoreType.DMA,
            pltpu.SemaphoreType.DMA,
            pltpu.SemaphoreType.DMA,
            pltpu.SemaphoreType.DMA,
        ],
        cost_estimate=pl.CostEstimate(
            flops=_B * _S_SC * _D,
            transcendentals=0,
            bytes_accessed=(2 * _B * _S_SC * _D + _S_SC * _D) * 4,
        ),
    )(x, pe)

    return lax.dynamic_update_slice(tc_out, sc_out, (0, _S_TC, 0))


def kernel(x, pos_embed):
    return _hybrid_add(x, pos_embed[:_S])

# --- scband reference (transcript-rebuilt; emitter-appended) ---
"""Pipeline reference for scband-learned-positional-encoding-38766374813793 (READ-ONLY COPY).

The authoritative reference and input builder live on the scoring server;
editing this copy changes nothing except your own understanding.
"""

import jax, jax.numpy as jnp
import numpy as np

D_MODEL = 1024
MAX_LEN = 8192

def setup_inputs(seed: int = 0) -> dict:
    key = jax.random.key(seed)
    k1, k2 = jax.random.split(key)
    x = jax.random.normal(k1, (4, 4096, D_MODEL), dtype=jnp.float32)
    pos_embed = jax.random.normal(k2, (MAX_LEN, D_MODEL), dtype=jnp.float32) * 0.02
    return {"x": x, "pos_embed": pos_embed}

def reference(x, pos_embed):
    # positions = arange(seq_len), unsqueeze batch dim, gather from table
    positions = jnp.arange(x.shape[1])
    pe = jnp.take(pos_embed, positions, axis=0)[None, :, :]  # [1, S, D]
    # dropout p=0.0 (eval / identity)
    return x + pe

if __name__ == "__main__":
    import jax
    _d = setup_inputs()
    print(jax.jit(kernel)(*tuple(_d.values())))

</pallas_src>

<mosaic_0001>
#map = affine_map<(d0, d1) -> (0, 0, 0)>
#map1 = affine_map<(d0, d1) -> (0, 0)>
module attributes {stable_mosaic.version = 14 : i64} {
  func.func @_sc_body(%arg0: i32, %arg1: i32, %arg2: memref<4x4096x1024xf32, #tpu.memory_space<hbm>>, %arg3: memref<4096x1024xf32, #tpu.memory_space<hbm>>, %arg4: memref<4x256x1024xf32, #tpu.memory_space<hbm>>, %arg5: memref<8x1024xf32, #tpu.memory_space<vmem>>, %arg6: memref<8x1024xf32, #tpu.memory_space<vmem>>, %arg7: memref<8x1024xf32, #tpu.memory_space<vmem>>, %arg8: memref<8x1024xf32, #tpu.memory_space<vmem>>, %arg9: memref<8x1024xf32, #tpu.memory_space<vmem>>, %arg10: memref<!tpu.dma_semaphore, #tpu.memory_space<semaphore_mem>>, %arg11: memref<!tpu.dma_semaphore, #tpu.memory_space<semaphore_mem>>, %arg12: memref<!tpu.dma_semaphore, #tpu.memory_space<semaphore_mem>>, %arg13: memref<!tpu.dma_semaphore, #tpu.memory_space<semaphore_mem>>, %arg14: memref<!tpu.dma_semaphore, #tpu.memory_space<semaphore_mem>>, %arg15: memref<!tpu.dma_semaphore, #tpu.memory_space<semaphore_mem>>, %arg16: memref<!tpu.dma_semaphore, #tpu.memory_space<semaphore_mem>>, %arg17: memref<!tpu.dma_semaphore, #tpu.memory_space<semaphore_mem>>) attributes {dimension_semantics = [#tpu.dimension_semantics<core_parallel>, #tpu.dimension_semantics<subcore_parallel>], iteration_bounds = array<i64: 2, 16>, scalar_prefetch = 0 : i64, scratch_operands = 13 : i64, tpu.core_type = #tpu.core_type<sc_vector_subcore>, window_params = [{transform_indices = #map}, {transform_indices = #map1}, {transform_indices = #map}]} {
    %mul3A = arith.constant 2 : i32
    %mul3A_0 = arith.muli %arg1, %mul3A : i32
    %add3A = arith.addi %mul3A_0, %arg0 : i32
    %mul3A_1 = arith.constant 8 : i32
    %mul3A_2 = arith.muli %add3A, %mul3A_1 : i32
    %add3A_3 = arith.constant 3840 : i32
    %add3A_4 = arith.addi %add3A_3, %mul3A_2 : i32
    %add3A_5 = arith.constant 0 : i32
    %add3A_6 = arith.addi %add3A_4, %add3A_5 : i32
    %dma_start3A = arith.constant 0 : i32
    %dma_start3A_7 = tpu.memref_slice %arg3[%add3A_6, %dma_start3A] : memref<4096x1024xf32, #tpu.memory_space<hbm>> -> memref<8x1024xf32, #tpu.memory_space<hbm>>
    %dma_start3A_8 = arith.constant 0 : i32
    %dma_start3A_9 = tpu.memref_slice %arg3[%add3A_6, %dma_start3A_8] : memref<4096x1024xf32, #tpu.memory_space<hbm>> -> memref<8x1024xf32, #tpu.memory_space<hbm>>
    tpu.enqueue_dma source(%dma_start3A_9 : memref<8x1024xf32, #tpu.memory_space<hbm>>) target(%arg5 : memref<8x1024xf32, #tpu.memory_space<vmem>>) target_semaphore(%arg10 : memref<!tpu.dma_semaphore, #tpu.memory_space<semaphore_mem>>)
    %add3A_10 = arith.constant 0 : i32
    %add3A_11 = arith.addi %add3A_4, %add3A_10 : i32
    %dma_start3A_12 = arith.constant 0 : i32
    %dma_start3A_13 = arith.constant 0 : i32
    %dma_start3A_14 = tpu.memref_slice %arg2[%dma_start3A_12, %add3A_11, %dma_start3A_13] : memref<4x4096x1024xf32, #tpu.memory_space<hbm>> -> memref<1x8x1024xf32, #tpu.memory_space<hbm>>
    %dma_start3A_15 = tpu.memref_squeeze %dma_start3A_14 : memref<1x8x1024xf32, #tpu.memory_space<hbm>> -> memref<8x1024xf32, #tpu.memory_space<hbm>>
    %dma_start3A_16 = arith.constant 0 : i32
    %dma_start3A_17 = tpu.memref_slice %arg2[%dma_start3A_12, %add3A_11, %dma_start3A_16] : memref<4x4096x1024xf32, #tpu.memory_space<hbm>> -> memref<1x8x1024xf32, #tpu.memory_space<hbm>>
    %dma_start3A_18 = tpu.memref_squeeze %dma_start3A_17 : memref<1x8x1024xf32, #tpu.memory_space<hbm>> -> memref<8x1024xf32, #tpu.memory_space<hbm>>
    tpu.enqueue_dma source(%dma_start3A_18 : memref<8x1024xf32, #tpu.memory_space<hbm>>) target(%arg7 : memref<8x1024xf32, #tpu.memory_space<vmem>>) target_semaphore(%arg12 : memref<!tpu.dma_semaphore, #tpu.memory_space<semaphore_mem>>)
    %add3A_19 = arith.constant 0 : i32
    %add3A_20 = arith.addi %add3A_4, %add3A_19 : i32
    %dma_start3A_21 = arith.constant 1 : i32
    %dma_start3A_22 = arith.constant 0 : i32
    %dma_start3A_23 = tpu.memref_slice %arg2[%dma_start3A_21, %add3A_20, %dma_start3A_22] : memref<4x4096x1024xf32, #tpu.memory_space<hbm>> -> memref<1x8x1024xf32, #tpu.memory_space<hbm>>
    %dma_start3A_24 = tpu.memref_squeeze %dma_start3A_23 : memref<1x8x1024xf32, #tpu.memory_space<hbm>> -> memref<8x1024xf32, #tpu.memory_space<hbm>>
    %dma_start3A_25 = arith.constant 0 : i32
    %dma_start3A_26 = tpu.memref_slice %arg2[%dma_start3A_21, %add3A_20, %dma_start3A_25] : memref<4x4096x1024xf32, #tpu.memory_space<hbm>> -> memref<1x8x1024xf32, #tpu.memory_space<hbm>>
    %dma_start3A_27 = tpu.memref_squeeze %dma_start3A_26 : memref<1x8x1024xf32, #tpu.memory_space<hbm>> -> memref<8x1024xf32, #tpu.memory_space<hbm>>
    tpu.enqueue_dma source(%dma_start3A_27 : memref<8x1024xf32, #tpu.memory_space<hbm>>) target(%arg8 : memref<8x1024xf32, #tpu.memory_space<vmem>>) target_semaphore(%arg13 : memref<!tpu.dma_semaphore, #tpu.memory_space<semaphore_mem>>)
    %add3A_28 = arith.constant 0 : i32
    %add3A_29 = arith.addi %add3A_4, %add3A_28 : i32
    %dma_wait3A = arith.constant 0 : i32
    %dma_wait3A_30 = tpu.memref_slice %arg3[%add3A_29, %dma_wait3A] : memref<4096x1024xf32, #tpu.memory_space<hbm>> -> memref<8x1024xf32, #tpu.memory_space<hbm>>
    %dma_wait3A_31 = arith.constant 0 : i32
    %dma_wait3A_32 = tpu.memref_slice %arg3[%add3A_29, %dma_wait3A_31] : memref<4096x1024xf32, #tpu.memory_space<hbm>> -> memref<8x1024xf32, #tpu.memory_space<hbm>>
    tpu.wait_dma2 semaphore(%arg10 : memref<!tpu.dma_semaphore, #tpu.memory_space<semaphore_mem>>) src(%dma_wait3A_32 : memref<8x1024xf32, #tpu.memory_space<hbm>>) dst(%arg5 : memref<8x1024xf32, #tpu.memory_space<vmem>>)
    %add3A_33 = arith.constant 0 : i32
    %add3A_34 = arith.addi %add3A_4, %add3A_33 : i32
    %dma_wait3A_35 = arith.constant 0 : i32
    %dma_wait3A_36 = arith.constant 0 : i32
    %dma_wait3A_37 = tpu.memref_slice %arg2[%dma_wait3A_35, %add3A_34, %dma_wait3A_36] : memref<4x4096x1024xf32, #tpu.memory_space<hbm>> -> memref<1x8x1024xf32, #tpu.memory_space<hbm>>
    %dma_wait3A_38 = tpu.memref_squeeze %dma_wait3A_37 : memref<1x8x1024xf32, #tpu.memory_space<hbm>> -> memref<8x1024xf32, #tpu.memory_space<hbm>>
    %dma_wait3A_39 = arith.constant 0 : i32
    %dma_wait3A_40 = tpu.memref_slice %arg2[%dma_wait3A_35, %add3A_34, %dma_wait3A_39] : memref<4x4096x1024xf32, #tpu.memory_space<hbm>> -> memref<1x8x1024xf32, #tpu.memory_space<hbm>>
    %dma_wait3A_41 = tpu.memref_squeeze %dma_wait3A_40 : memref<1x8x1024xf32, #tpu.memory_space<hbm>> -> memref<8x1024xf32, #tpu.memory_space<hbm>>
    tpu.wait_dma2 semaphore(%arg12 : memref<!tpu.dma_semaphore, #tpu.memory_space<semaphore_mem>>) src(%dma_wait3A_41 : memref<8x1024xf32, #tpu.memory_space<hbm>>) dst(%arg7 : memref<8x1024xf32, #tpu.memory_space<vmem>>)
    %scan3A = arith.constant 0 : i32
    %scan3A_42 = arith.constant 0 : i32
    %scan3A_43 = arith.constant 8 : i32
    %scan3A_44 = arith.addi %scan3A_42, %scan3A_43 : i32
    %scan3A_45 = arith.constant 1 : i32
    scf.for %scan3A_182 = %scan3A_42 to %scan3A_44 step %scan3A_45  : i32 {
      %scan3A_183 = arith.constant 0 : i32
      %scan3A_184 = arith.constant 8 : i32
      %scan3A_185 = arith.addi %scan3A_183, %scan3A_184 : i32
      %scan3A_186 = arith.constant 1 : i32
      scf.for %scan3A_188 = %scan3A_183 to %scan3A_185 step %scan3A_186  : i32 {
        %mul3A_189 = arith.constant 8 : i32
        %mul3A_190 = arith.muli %scan3A_188, %mul3A_189 : i32
        %add3A_191 = arith.constant 0 : i32
        %add3A_192 = arith.addi %mul3A_190, %add3A_191 : i32
        %mul3A_193 = arith.constant 16 : i32
        %mul3A_194 = arith.muli %add3A_192, %mul3A_193 : i32
        %get3A = arith.index_cast %scan3A_182 : i32 to index
        %get3A_195 = arith.index_cast %mul3A_194 : i32 to index
        %get3A_196 = tpu.vector_load %arg5[%get3A, %get3A_195] {strides = array<i32>} : memref<8x1024xf32, #tpu.memory_space<vmem>>, vector<1x16xf32>,
        %get3A_197 = vector.shape_cast %get3A_196 : vector<1x16xf32> to vector<16xf32>
        %swap3A = arith.index_cast %scan3A_182 : i32 to index
        %swap3A_198 = arith.index_cast %mul3A_194 : i32 to index
        %swap3A_199 = tpu.vector_load %arg7[%swap3A, %swap3A_198] {strides = array<i32>} : memref<8x1024xf32, #tpu.memory_space<vmem>>, vector<1x16xf32>,
        %swap3A_200 = vector.shape_cast %swap3A_199 : vector<1x16xf32> to vector<16xf32>
        %swap3A_201 = vector.shape_cast %get3A_197 : vector<16xf32> to vector<1x16xf32>
        tpu.vector_store %arg7[%swap3A, %swap3A_198], %swap3A_201 {add = true, strides = array<i32>} : memref<8x1024xf32, #tpu.memory_space<vmem>>, vector<1x16xf32>,
        %mul3A_202 = arith.constant 8 : i32
        %mul3A_203 = arith.muli %scan3A_188, %mul3A_202 : i32
        %add3A_204 = arith.constant 1 : i32
        %add3A_205 = arith.addi %mul3A_203, %add3A_204 : i32
        %mul3A_206 = arith.constant 16 : i32
        %mul3A_207 = arith.muli %add3A_205, %mul3A_206 : i32
        %get3A_208 = arith.index_cast %scan3A_182 : i32 to index
        %get3A_209 = arith.index_cast %mul3A_207 : i32 to index
        %get3A_210 = tpu.vector_load %arg5[%get3A_208, %get3A_209] {strides = array<i32>} : memref<8x1024xf32, #tpu.memory_space<vmem>>, vector<1x16xf32>,
        %get3A_211 = vector.shape_cast %get3A_210 : vector<1x16xf32> to vector<16xf32>
        %swap3A_212 = arith.index_cast %scan3A_182 : i32 to index
        %swap3A_213 = arith.index_cast %mul3A_207 : i32 to index
        %swap3A_214 = tpu.vector_load %arg7[%swap3A_212, %swap3A_213] {strides = array<i32>} : memref<8x1024xf32, #tpu.memory_space<vmem>>, vector<1x16xf32>,
        %swap3A_215 = vector.shape_cast %swap3A_214 : vector<1x16xf32> to vector<16xf32>
        %swap3A_216 = vector.shape_cast %get3A_211 : vector<16xf32> to vector<1x16xf32>
        tpu.vector_store %arg7[%swap3A_212, %swap3A_213], %swap3A_216 {add = true, strides = array<i32>} : memref<8x1024xf32, #tpu.memory_space<vmem>>, vector<1x16xf32>,
        %mul3A_217 = arith.constant 8 : i32
        %mul3A_218 = arith.muli %scan3A_188, %mul3A_217 : i32
        %add3A_219 = arith.constant 2 : i32
        %add3A_220 = arith.addi %mul3A_218, %add3A_219 : i32
        %mul3A_221 = arith.constant 16 : i32
        %mul3A_222 = arith.muli %add3A_220, %mul3A_221 : i32
        %get3A_223 = arith.index_cast %scan3A_182 : i32 to index
        %get3A_224 = arith.index_cast %mul3A_222 : i32 to index
        %get3A_225 = tpu.vector_load %arg5[%get3A_223, %get3A_224] {strides = array<i32>} : memref<8x1024xf32, #tpu.memory_space<vmem>>, vector<1x16xf32>,
        %get3A_226 = vector.shape_cast %get3A_225 : vector<1x16xf32> to vector<16xf32>
        %swap3A_227 = arith.index_cast %scan3A_182 : i32 to index
        %swap3A_228 = arith.index_cast %mul3A_222 : i32 to index
        %swap3A_229 = tpu.vector_load %arg7[%swap3A_227, %swap3A_228] {strides = array<i32>} : memref<8x1024xf32, #tpu.memory_space<vmem>>, vector<1x16xf32>,
        %swap3A_230 = vector.shape_cast %swap3A_229 : vector<1x16xf32> to vector<16xf32>
        %swap3A_231 = vector.shape_cast %get3A_226 : vector<16xf32> to vector<1x16xf32>
        tpu.vector_store %arg7[%swap3A_227, %swap3A_228], %swap3A_231 {add = true, strides = array<i32>} : memref<8x1024xf32, #tpu.memory_space<vmem>>, vector<1x16xf32>,
        %mul3A_232 = arith.constant 8 : i32
        %mul3A_233 = arith.muli %scan3A_188, %mul3A_232 : i32
        %add3A_234 = arith.constant 3 : i32
        %add3A_235 = arith.addi %mul3A_233, %add3A_234 : i32
        %mul3A_236 = arith.constant 16 : i32
        %mul3A_237 = arith.muli %add3A_235, %mul3A_236 : i32
        %get3A_238 = arith.index_cast %scan3A_182 : i32 to index
        %get3A_239 = arith.index_cast %mul3A_237 : i32 to index
        %get3A_240 = tpu.vector_load %arg5[%get3A_238, %get3A_239] {strides = array<i32>} : memref<8x1024xf32, #tpu.memory_space<vmem>>, vector<1x16xf32>,
        %get3A_241 = vector.shape_cast %get3A_240 : vector<1x16xf32> to vector<16xf32>
        %swap3A_242 = arith.index_cast %scan3A_182 : i32 to index
        %swap3A_243 = arith.index_cast %mul3A_237 : i32 to index
        %swap3A_244 = tpu.vector_load %arg7[%swap3A_242, %swap3A_243] {strides = array<i32>} : memref<8x1024xf32, #tpu.memory_space<vmem>>, vector<1x16xf32>,
        %swap3A_245 = vector.shape_cast %swap3A_244 : vector<1x16xf32> to vector<16xf32>
        %swap3A_246 = vector.shape_cast %get3A_241 : vector<16xf32> to vector<1x16xf32>
        tpu.vector_store %arg7[%swap3A_242, %swap3A_243], %swap3A_246 {add = true, strides = array<i32>} : memref<8x1024xf32, #tpu.memory_space<vmem>>, vector<1x16xf32>,
        %mul3A_247 = arith.constant 8 : i32
        %mul3A_248 = arith.muli %scan3A_188, %mul3A_247 : i32
        %add3A_249 = arith.constant 4 : i32
        %add3A_250 = arith.addi %mul3A_248, %add3A_249 : i32
        %mul3A_251 = arith.constant 16 : i32
        %mul3A_252 = arith.muli %add3A_250, %mul3A_251 : i32
        %get3A_253 = arith.index_cast %scan3A_182 : i32 to index
        %get3A_254 = arith.index_cast %mul3A_252 : i32 to index
        %get3A_255 = tpu.vector_load %arg5[%get3A_253, %get3A_254] {strides = array<i32>} : memref<8x1024xf32, #tpu.memory_space<vmem>>, vector<1x16xf32>,
        %get3A_256 = vector.shape_cast %get3A_255 : vector<1x16xf32> to vector<16xf32>
        %swap3A_257 = arith.index_cast %scan3A_182 : i32 to index
        %swap3A_258 = arith.index_cast %mul3A_252 : i32 to index
        %swap3A_259 = tpu.vector_load %arg7[%swap3A_257, %swap3A_258] {strides = array<i32>} : memref<8x1024xf32, #tpu.memory_space<vmem>>, vector<1x16xf32>,
        %swap3A_260 = vector.shape_cast %swap3A_259 : vector<1x16xf32> to vector<16xf32>
        %swap3A_261 = vector.shape_cast %get3A_256 : vector<16xf32> to vector<1x16xf32>
        tpu.vector_store %arg7[%swap3A_257, %swap3A_258], %swap3A_261 {add = true, strides = array<i32>} : memref<8x1024xf32, #tpu.memory_space<vmem>>, vector<1x16xf32>,
        %mul3A_262 = arith.constant 8 : i32
        %mul3A_263 = arith.muli %scan3A_188, %mul3A_262 : i32
        %add3A_264 = arith.constant 5 : i32
        %add3A_265 = arith.addi %mul3A_263, %add3A_264 : i32
        %mul3A_266 = arith.constant 16 : i32
        %mul3A_267 = arith.muli %add3A_265, %mul3A_266 : i32
        %get3A_268 = arith.index_cast %scan3A_182 : i32 to index
        %get3A_269 = arith.index_cast %mul3A_267 : i32 to index
        %get3A_270 = tpu.vector_load %arg5[%get3A_268, %get3A_269] {strides = array<i32>} : memref<8x1024xf32, #tpu.memory_space<vmem>>, vector<1x16xf32>,
        %get3A_271 = vector.shape_cast %get3A_270 : vector<1x16xf32> to vector<16xf32>
        %swap3A_272 = arith.index_cast %scan3A_182 : i32 to index
        %swap3A_273 = arith.index_cast %mul3A_267 : i32 to index
        %swap3A_274 = tpu.vector_load %arg7[%swap3A_272, %swap3A_273] {strides = array<i32>} : memref<8x1024xf32, #tpu.memory_space<vmem>>, vector<1x16xf32>,
        %swap3A_275 = vector.shape_cast %swap3A_274 : vector<1x16xf32> to vector<16xf32>
        %swap3A_276 = vector.shape_cast %get3A_271 : vector<16xf32> to vector<1x16xf32>
        tpu.vector_store %arg7[%swap3A_272, %swap3A_273], %swap3A_276 {add = true, strides = array<i32>} : memref<8x1024xf32, #tpu.memory_space<vmem>>, vector<1x16xf32>,
        %mul3A_277 = arith.constant 8 : i32
        %mul3A_278 = arith.muli %scan3A_188, %mul3A_277 : i32
        %add3A_279 = arith.constant 6 : i32
        %add3A_280 = arith.addi %mul3A_278, %add3A_279 : i32
        %mul3A_281 = arith.constant 16 : i32
        %mul3A_282 = arith.muli %add3A_280, %mul3A_281 : i32
        %get3A_283 = arith.index_cast %scan3A_182 : i32 to index
        %get3A_284 = arith.index_cast %mul3A_282 : i32 to index
        %get3A_285 = tpu.vector_load %arg5[%get3A_283, %get3A_284] {strides = array<i32>} : memref<8x1024xf32, #tpu.memory_space<vmem>>, vector<1x16xf32>,
        %get3A_286 = vector.shape_cast %get3A_285 : vector<1x16xf32> to vector<16xf32>
        %swap3A_287 = arith.index_cast %scan3A_182 : i32 to index
        %swap3A_288 = arith.index_cast %mul3A_282 : i32 to index
        %swap3A_289 = tpu.vector_load %arg7[%swap3A_287, %swap3A_288] {strides = array<i32>} : memref<8x1024xf32, #tpu.memory_space<vmem>>, vector<1x16xf32>,
        %swap3A_290 = vector.shape_cast %swap3A_289 : vector<1x16xf32> to vector<16xf32>
        %swap3A_291 = vector.shape_cast %get3A_286 : vector<16xf32> to vector<1x16xf32>
        tpu.vector_store %arg7[%swap3A_287, %swap3A_288], %swap3A_291 {add = true, strides = array<i32>} : memref<8x1024xf32, #tpu.memory_space<vmem>>, vector<1x16xf32>,
        %mul3A_292 = arith.constant 8 : i32
        %mul3A_293 = arith.muli %scan3A_188, %mul3A_292 : i32
        %add3A_294 = arith.constant 7 : i32
        %add3A_295 = arith.addi %mul3A_293, %add3A_294 : i32
        %mul3A_296 = arith.constant 16 : i32
        %mul3A_297 = arith.muli %add3A_295, %mul3A_296 : i32
        %get3A_298 = arith.index_cast %scan3A_182 : i32 to index
        %get3A_299 = arith.index_cast %mul3A_297 : i32 to index
        %get3A_300 = tpu.vector_load %arg5[%get3A_298, %get3A_299] {strides = array<i32>} : memref<8x1024xf32, #tpu.memory_space<vmem>>, vector<1x16xf32>,
        %get3A_301 = vector.shape_cast %get3A_300 : vector<1x16xf32> to vector<16xf32>
        %swap3A_302 = arith.index_cast %scan3A_182 : i32 to index
        %swap3A_303 = arith.index_cast %mul3A_297 : i32 to index
        %swap3A_304 = tpu.vector_load %arg7[%swap3A_302, %swap3A_303] {strides = array<i32>} : memref<8x1024xf32, #tpu.memory_space<vmem>>, vector<1x16xf32>,
        %swap3A_305 = vector.shape_cast %swap3A_304 : vector<1x16xf32> to vector<16xf32>
        %swap3A_306 = vector.shape_cast %get3A_301 : vector<16xf32> to vector<1x16xf32>
        tpu.vector_store %arg7[%swap3A_302, %swap3A_303], %swap3A_306 {add = true, strides = array<i32>} : memref<8x1024xf32, #tpu.memory_space<vmem>>, vector<1x16xf32>,
      }
      %scan3A_187 = arith.constant 8 : i32
    }
    %scan3A_46 = arith.constant 8 : i32
    %add3A_47 = arith.constant 0 : i32
    %add3A_48 = arith.addi %mul3A_2, %add3A_47 : i32
    %dma_start3A_49 = arith.constant 0 : i32
    %dma_start3A_50 = arith.constant 0 : i32
    %dma_start3A_51 = tpu.memref_slice %arg4[%dma_start3A_49, %add3A_48, %dma_start3A_50] : memref<4x256x1024xf32, #tpu.memory_space<hbm>> -> memref<1x8x1024xf32, #tpu.memory_space<hbm>>
    %dma_start3A_52 = tpu.memref_squeeze %dma_start3A_51 : memref<1x8x1024xf32, #tpu.memory_space<hbm>> -> memref<8x1024xf32, #tpu.memory_space<hbm>>
    %dma_start3A_53 = arith.constant 0 : i32
    %dma_start3A_54 = tpu.memref_slice %arg4[%dma_start3A_49, %add3A_48, %dma_start3A_53] : memref<4x256x1024xf32, #tpu.memory_space<hbm>> -> memref<1x8x1024xf32, #tpu.memory_space<hbm>>
    %dma_start3A_55 = tpu.memref_squeeze %dma_start3A_54 : memref<1x8x1024xf32, #tpu.memory_space<hbm>> -> memref<8x1024xf32, #tpu.memory_space<hbm>>
    tpu.enqueue_dma source(%arg7 : memref<8x1024xf32, #tpu.memory_space<vmem>>) target(%dma_start3A_55 : memref<8x1024xf32, #tpu.memory_space<hbm>>) target_semaphore(%arg15 : memref<!tpu.dma_semaphore, #tpu.memory_space<semaphore_mem>>)
    %add3A_56 = arith.constant 0 : i32
    %add3A_57 = arith.addi %add3A_4, %add3A_56 : i32
    %dma_start3A_58 = arith.constant 2 : i32
    %dma_start3A_59 = arith.constant 0 : i32
    %dma_start3A_60 = tpu.memref_slice %arg2[%dma_start3A_58, %add3A_57, %dma_start3A_59] : memref<4x4096x1024xf32, #tpu.memory_space<hbm>> -> memref<1x8x1024xf32, #tpu.memory_space<hbm>>
    %dma_start3A_61 = tpu.memref_squeeze %dma_start3A_60 : memref<1x8x1024xf32, #tpu.memory_space<hbm>> -> memref<8x1024xf32, #tpu.memory_space<hbm>>
    %dma_start3A_62 = arith.constant 0 : i32
    %dma_start3A_63 = tpu.memref_slice %arg2[%dma_start3A_58, %add3A_57, %dma_start3A_62] : memref<4x4096x1024xf32, #tpu.memory_space<hbm>> -> memref<1x8x1024xf32, #tpu.memory_space<hbm>>
    %dma_start3A_64 = tpu.memref_squeeze %dma_start3A_63 : memref<1x8x1024xf32, #tpu.memory_space<hbm>> -> memref<8x1024xf32, #tpu.memory_space<hbm>>
    tpu.enqueue_dma source(%dma_start3A_64 : memref<8x1024xf32, #tpu.memory_space<hbm>>) target(%arg9 : memref<8x1024xf32, #tpu.memory_space<vmem>>) target_semaphore(%arg14 : memref<!tpu.dma_semaphore, #tpu.memory_space<semaphore_mem>>)
    %add3A_65 = arith.constant 0 : i32
    %add3A_66 = arith.addi %add3A_4, %add3A_65 : i32
    %dma_wait3A_67 = arith.constant 1 : i32
    %dma_wait3A_68 = arith.constant 0 : i32
    %dma_wait3A_69 = tpu.memref_slice %arg2[%dma_wait3A_67, %add3A_66, %dma_wait3A_68] : memref<4x4096x1024xf32, #tpu.memory_space<hbm>> -> memref<1x8x1024xf32, #tpu.memory_space<hbm>>
    %dma_wait3A_70 = tpu.memref_squeeze %dma_wait3A_69 : memref<1x8x1024xf32, #tpu.memory_space<hbm>> -> memref<8x1024xf32, #tpu.memory_space<hbm>>
    %dma_wait3A_71 = arith.constant 0 : i32
    %dma_wait3A_72 = tpu.memref_slice %arg2[%dma_wait3A_67, %add3A_66, %dma_wait3A_71] : memref<4x4096x1024xf32, #tpu.memory_space<hbm>> -> memref<1x8x1024xf32, #tpu.memory_space<hbm>>
    %dma_wait3A_73 = tpu.memref_squeeze %dma_wait3A_72 : memref<1x8x1024xf32, #tpu.memory_space<hbm>> -> memref<8x1024xf32, #tpu.memory_space<hbm>>
    tpu.wait_dma2 semaphore(%arg13 : memref<!tpu.dma_semaphore, #tpu.memory_space<semaphore_mem>>) src(%dma_wait3A_73 : memref<8x1024xf32, #tpu.memory_space<hbm>>) dst(%arg8 : memref<8x1024xf32, #tpu.memory_space<vmem>>)
    %scan3A_74 = arith.constant 0 : i32
    %scan3A_75 = arith.constant 0 : i32
    %scan3A_76 = arith.constant 8 : i32
    %scan3A_77 = arith.addi %scan3A_75, %scan3A_76 : i32
    %scan3A_78 = arith.constant 1 : i32
    scf.for %scan3A_182 = %scan3A_75 to %scan3A_77 step %scan3A_78  : i32 {
      %scan3A_183 = arith.constant 0 : i32
      %scan3A_184 = arith.constant 8 : i32
      %scan3A_185 = arith.addi %scan3A_183, %scan3A_184 : i32
      %scan3A_186 = arith.constant 1 : i32
      scf.for %scan3A_188 = %scan3A_183 to %scan3A_185 step %scan3A_186  : i32 {
        %mul3A_189 = arith.constant 8 : i32
        %mul3A_190 = arith.muli %scan3A_188, %mul3A_189 : i32
        %add3A_191 = arith.constant 0 : i32
        %add3A_192 = arith.addi %mul3A_190, %add3A_191 : i32
        %mul3A_193 = arith.constant 16 : i32
        %mul3A_194 = arith.muli %add3A_192, %mul3A_193 : i32
        %get3A = arith.index_cast %scan3A_182 : i32 to index
        %get3A_195 = arith.index_cast %mul3A_194 : i32 to index
        %get3A_196 = tpu.vector_load %arg5[%get3A, %get3A_195] {strides = array<i32>} : memref<8x1024xf32, #tpu.memory_space<vmem>>, vector<1x16xf32>,
        %get3A_197 = vector.shape_cast %get3A_196 : vector<1x16xf32> to vector<16xf32>
        %swap3A = arith.index_cast %scan3A_182 : i32 to index
        %swap3A_198 = arith.index_cast %mul3A_194 : i32 to index
        %swap3A_199 = tpu.vector_load %arg8[%swap3A, %swap3A_198] {strides = array<i32>} : memref<8x1024xf32, #tpu.memory_space<vmem>>, vector<1x16xf32>,
        %swap3A_200 = vector.shape_cast %swap3A_199 : vector<1x16xf32> to vector<16xf32>
        %swap3A_201 = vector.shape_cast %get3A_197 : vector<16xf32> to vector<1x16xf32>
        tpu.vector_store %arg8[%swap3A, %swap3A_198], %swap3A_201 {add = true, strides = array<i32>} : memref<8x1024xf32, #tpu.memory_space<vmem>>, vector<1x16xf32>,
        %mul3A_202 = arith.constant 8 : i32
        %mul3A_203 = arith.muli %scan3A_188, %mul3A_202 : i32
        %add3A_204 = arith.constant 1 : i32
        %add3A_205 = arith.addi %mul3A_203, %add3A_204 : i32
        %mul3A_206 = arith.constant 16 : i32
        %mul3A_207 = arith.muli %add3A_205, %mul3A_206 : i32
        %get3A_208 = arith.index_cast %scan3A_182 : i32 to index
        %get3A_209 = arith.index_cast %mul3A_207 : i32 to index
        %get3A_210 = tpu.vector_load %arg5[%get3A_208, %get3A_209] {strides = array<i32>} : memref<8x1024xf32, #tpu.memory_space<vmem>>, vector<1x16xf32>,
        %get3A_211 = vector.shape_cast %get3A_210 : vector<1x16xf32> to vector<16xf32>
        %swap3A_212 = arith.index_cast %scan3A_182 : i32 to index
        %swap3A_213 = arith.index_cast %mul3A_207 : i32 to index
        %swap3A_214 = tpu.vector_load %arg8[%swap3A_212, %swap3A_213] {strides = array<i32>} : memref<8x1024xf32, #tpu.memory_space<vmem>>, vector<1x16xf32>,
        %swap3A_215 = vector.shape_cast %swap3A_214 : vector<1x16xf32> to vector<16xf32>
        %swap3A_216 = vector.shape_cast %get3A_211 : vector<16xf32> to vector<1x16xf32>
        tpu.vector_store %arg8[%swap3A_212, %swap3A_213], %swap3A_216 {add = true, strides = array<i32>} : memref<8x1024xf32, #tpu.memory_space<vmem>>, vector<1x16xf32>,
        %mul3A_217 = arith.constant 8 : i32
        %mul3A_218 = arith.muli %scan3A_188, %mul3A_217 : i32
        %add3A_219 = arith.constant 2 : i32
        %add3A_220 = arith.addi %mul3A_218, %add3A_219 : i32
        %mul3A_221 = arith.constant 16 : i32
        %mul3A_222 = arith.muli %add3A_220, %mul3A_221 : i32
        %get3A_223 = arith.index_cast %scan3A_182 : i32 to index
        %get3A_224 = arith.index_cast %mul3A_222 : i32 to index
        %get3A_225 = tpu.vector_load %arg5[%get3A_223, %get3A_224] {strides = array<i32>} : memref<8x1024xf32, #tpu.memory_space<vmem>>, vector<1x16xf32>,
        %get3A_226 = vector.shape_cast %get3A_225 : vector<1x16xf32> to vector<16xf32>
        %swap3A_227 = arith.index_cast %scan3A_182 : i32 to index
        %swap3A_228 = arith.index_cast %mul3A_222 : i32 to index
        %swap3A_229 = tpu.vector_load %arg8[%swap3A_227, %swap3A_228] {strides = array<i32>} : memref<8x1024xf32, #tpu.memory_space<vmem>>, vector<1x16xf32>,
        %swap3A_230 = vector.shape_cast %swap3A_229 : vector<1x16xf32> to vector<16xf32>
        %swap3A_231 = vector.shape_cast %get3A_226 : vector<16xf32> to vector<1x16xf32>
        tpu.vector_store %arg8[%swap3A_227, %swap3A_228], %swap3A_231 {add = true, strides = array<i32>} : memref<8x1024xf32, #tpu.memory_space<vmem>>, vector<1x16xf32>,
        %mul3A_232 = arith.constant 8 : i32
        %mul3A_233 = arith.muli %scan3A_188, %mul3A_232 : i32
        %add3A_234 = arith.constant 3 : i32
        %add3A_235 = arith.addi %mul3A_233, %add3A_234 : i32
        %mul3A_236 = arith.constant 16 : i32
        %mul3A_237 = arith.muli %add3A_235, %mul3A_236 : i32
        %get3A_238 = arith.index_cast %scan3A_182 : i32 to index
        %get3A_239 = arith.index_cast %mul3A_237 : i32 to index
        %get3A_240 = tpu.vector_load %arg5[%get3A_238, %get3A_239] {strides = array<i32>} : memref<8x1024xf32, #tpu.memory_space<vmem>>, vector<1x16xf32>,
        %get3A_241 = vector.shape_cast %get3A_240 : vector<1x16xf32> to vector<16xf32>
        %swap3A_242 = arith.index_cast %scan3A_182 : i32 to index
        %swap3A_243 = arith.index_cast %mul3A_237 : i32 to index
        %swap3A_244 = tpu.vector_load %arg8[%swap3A_242, %swap3A_243] {strides = array<i32>} : memref<8x1024xf32, #tpu.memory_space<vmem>>, vector<1x16xf32>,
        %swap3A_245 = vector.shape_cast %swap3A_244 : vector<1x16xf32> to vector<16xf32>
        %swap3A_246 = vector.shape_cast %get3A_241 : vector<16xf32> to vector<1x16xf32>
        tpu.vector_store %arg8[%swap3A_242, %swap3A_243], %swap3A_246 {add = true, strides = array<i32>} : memref<8x1024xf32, #tpu.memory_space<vmem>>, vector<1x16xf32>,
        %mul3A_247 = arith.constant 8 : i32
        %mul3A_248 = arith.muli %scan3A_188, %mul3A_247 : i32
        %add3A_249 = arith.constant 4 : i32
        %add3A_250 = arith.addi %mul3A_248, %add3A_249 : i32
        %mul3A_251 = arith.constant 16 : i32
        %mul3A_252 = arith.muli %add3A_250, %mul3A_251 : i32
        %get3A_253 = arith.index_cast %scan3A_182 : i32 to index
        %get3A_254 = arith.index_cast %mul3A_252 : i32 to index
        %get3A_255 = tpu.vector_load %arg5[%get3A_253, %get3A_254] {strides = array<i32>} : memref<8x1024xf32, #tpu.memory_space<vmem>>, vector<1x16xf32>,
        %get3A_256 = vector.shape_cast %get3A_255 : vector<1x16xf32> to vector<16xf32>
        %swap3A_257 = arith.index_cast %scan3A_182 : i32 to index
        %swap3A_258 = arith.index_cast %mul3A_252 : i32 to index
        %swap3A_259 = tpu.vector_load %arg8[%swap3A_257, %swap3A_258] {strides = array<i32>} : memref<8x1024xf32, #tpu.memory_space<vmem>>, vector<1x16xf32>,
        %swap3A_260 = vector.shape_cast %swap3A_259 : vector<1x16xf32> to vector<16xf32>
        %swap3A_261 = vector.shape_cast %get3A_256 : vector<16xf32> to vector<1x16xf32>
        tpu.vector_store %arg8[%swap3A_257, %swap3A_258], %swap3A_261 {add = true, strides = array<i32>} : memref<8x1024xf32, #tpu.memory_space<vmem>>, vector<1x16xf32>,
        %mul3A_262 = arith.constant 8 : i32
        %mul3A_263 = arith.muli %scan3A_188, %mul3A_262 : i32
        %add3A_264 = arith.constant 5 : i32
        %add3A_265 = arith.addi %mul3A_263, %add3A_264 : i32
        %mul3A_266 = arith.constant 16 : i32
        %mul3A_267 = arith.muli %add3A_265, %mul3A_266 : i32
        %get3A_268 = arith.index_cast %scan3A_182 : i32 to index
        %get3A_269 = arith.index_cast %mul3A_267 : i32 to index
        %get3A_270 = tpu.vector_load %arg5[%get3A_268, %get3A_269] {strides = array<i32>} : memref<8x1024xf32, #tpu.memory_space<vmem>>, vector<1x16xf32>,
        %get3A_271 = vector.shape_cast %get3A_270 : vector<1x16xf32> to vector<16xf32>
        %swap3A_272 = arith.index_cast %scan3A_182 : i32 to index
        %swap3A_273 = arith.index_cast %mul3A_267 : i32 to index
        %swap3A_274 = tpu.vector_load %arg8[%swap3A_272, %swap3A_273] {strides = array<i32>} : memref<8x1024xf32, #tpu.memory_space<vmem>>, vector<1x16xf32>,
        %swap3A_275 = vector.shape_cast %swap3A_274 : vector<1x16xf32> to vector<16xf32>
        %swap3A_276 = vector.shape_cast %get3A_271 : vector<16xf32> to vector<1x16xf32>
        tpu.vector_store %arg8[%swap3A_272, %swap3A_273], %swap3A_276 {add = true, strides = array<i32>} : memref<8x1024xf32, #tpu.memory_space<vmem>>, vector<1x16xf32>,
        %mul3A_277 = arith.constant 8 : i32
        %mul3A_278 = arith.muli %scan3A_188, %mul3A_277 : i32
        %add3A_279 = arith.constant 6 : i32
        %add3A_280 = arith.addi %mul3A_278, %add3A_279 : i32
        %mul3A_281 = arith.constant 16 : i32
        %mul3A_282 = arith.muli %add3A_280, %mul3A_281 : i32
        %get3A_283 = arith.index_cast %scan3A_182 : i32 to index
        %get3A_284 = arith.index_cast %mul3A_282 : i32 to index
        %get3A_285 = tpu.vector_load %arg5[%get3A_283, %get3A_284] {strides = array<i32>} : memref<8x1024xf32, #tpu.memory_space<vmem>>, vector<1x16xf32>,
        %get3A_286 = vector.shape_cast %get3A_285 : vector<1x16xf32> to vector<16xf32>
        %swap3A_287 = arith.index_cast %scan3A_182 : i32 to index
        %swap3A_288 = arith.index_cast %mul3A_282 : i32 to index
        %swap3A_289 = tpu.vector_load %arg8[%swap3A_287, %swap3A_288] {strides = array<i32>} : memref<8x1024xf32, #tpu.memory_space<vmem>>, vector<1x16xf32>,
        %swap3A_290 = vector.shape_cast %swap3A_289 : vector<1x16xf32> to vector<16xf32>
        %swap3A_291 = vector.shape_cast %get3A_286 : vector<16xf32> to vector<1x16xf32>
        tpu.vector_store %arg8[%swap3A_287, %swap3A_288], %swap3A_291 {add = true, strides = array<i32>} : memref<8x1024xf32, #tpu.memory_space<vmem>>, vector<1x16xf32>,
        %mul3A_292 = arith.constant 8 : i32
        %mul3A_293 = arith.muli %scan3A_188, %mul3A_292 : i32
        %add3A_294 = arith.constant 7 : i32
        %add3A_295 = arith.addi %mul3A_293, %add3A_294 : i32
        %mul3A_296 = arith.constant 16 : i32
        %mul3A_297 = arith.muli %add3A_295, %mul3A_296 : i32
        %get3A_298 = arith.index_cast %scan3A_182 : i32 to index
        %get3A_299 = arith.index_cast %mul3A_297 : i32 to index
        %get3A_300 = tpu.vector_load %arg5[%get3A_298, %get3A_299] {strides = array<i32>} : memref<8x1024xf32, #tpu.memory_space<vmem>>, vector<1x16xf32>,
        %get3A_301 = vector.shape_cast %get3A_300 : vector<1x16xf32> to vector<16xf32>
        %swap3A_302 = arith.index_cast %scan3A_182 : i32 to index
        %swap3A_303 = arith.index_cast %mul3A_297 : i32 to index
        %swap3A_304 = tpu.vector_load %arg8[%swap3A_302, %swap3A_303] {strides = array<i32>} : memref<8x1024xf32, #tpu.memory_space<vmem>>, vector<1x16xf32>,
        %swap3A_305 = vector.shape_cast %swap3A_304 : vector<1x16xf32> to vector<16xf32>
        %swap3A_306 = vector.shape_cast %get3A_301 : vector<16xf32> to vector<1x16xf32>
        tpu.vector_store %arg8[%swap3A_302, %swap3A_303], %swap3A_306 {add = true, strides = array<i32>} : memref<8x1024xf32, #tpu.memory_space<vmem>>, vector<1x16xf32>,
      }
      %scan3A_187 = arith.constant 8 : i32
    }
    %scan3A_79 = arith.constant 8 : i32
    %add3A_80 = arith.constant 0 : i32
    %add3A_81 = arith.addi %mul3A_2, %add3A_80 : i32
    %dma_start3A_82 = arith.constant 1 : i32
    %dma_start3A_83 = arith.constant 0 : i32
    %dma_start3A_84 = tpu.memref_slice %arg4[%dma_start3A_82, %add3A_81, %dma_start3A_83] : memref<4x256x1024xf32, #tpu.memory_space<hbm>> -> memref<1x8x1024xf32, #tpu.memory_space<hbm>>
    %dma_start3A_85 = tpu.memref_squeeze %dma_start3A_84 : memref<1x8x1024xf32, #tpu.memory_space<hbm>> -> memref<8x1024xf32, #tpu.memory_space<hbm>>
    %dma_start3A_86 = arith.constant 0 : i32
    %dma_start3A_87 = tpu.memref_slice %arg4[%dma_start3A_82, %add3A_81, %dma_start3A_86] : memref<4x256x1024xf32, #tpu.memory_space<hbm>> -> memref<1x8x1024xf32, #tpu.memory_space<hbm>>
    %dma_start3A_88 = tpu.memref_squeeze %dma_start3A_87 : memref<1x8x1024xf32, #tpu.memory_space<hbm>> -> memref<8x1024xf32, #tpu.memory_space<hbm>>
    tpu.enqueue_dma source(%arg8 : memref<8x1024xf32, #tpu.memory_space<vmem>>) target(%dma_start3A_88 : memref<8x1024xf32, #tpu.memory_space<hbm>>) target_semaphore(%arg16 : memref<!tpu.dma_semaphore, #tpu.memory_space<semaphore_mem>>)
    %add3A_89 = arith.constant 0 : i32
    %add3A_90 = arith.addi %mul3A_2, %add3A_89 : i32
    %dma_wait3A_91 = arith.constant 0 : i32
    %dma_wait3A_92 = arith.constant 0 : i32
    %dma_wait3A_93 = tpu.memref_slice %arg4[%dma_wait3A_91, %add3A_90, %dma_wait3A_92] : memref<4x256x1024xf32, #tpu.memory_space<hbm>> -> memref<1x8x1024xf32, #tpu.memory_space<hbm>>
    %dma_wait3A_94 = tpu.memref_squeeze %dma_wait3A_93 : memref<1x8x1024xf32, #tpu.memory_space<hbm>> -> memref<8x1024xf32, #tpu.memory_space<hbm>>
    %dma_wait3A_95 = arith.constant 0 : i32
    %dma_wait3A_96 = tpu.memref_slice %arg4[%dma_wait3A_91, %add3A_90, %dma_wait3A_95] : memref<4x256x1024xf32, #tpu.memory_space<hbm>> -> memref<1x8x1024xf32, #tpu.memory_space<hbm>>
    %dma_wait3A_97 = tpu.memref_squeeze %dma_wait3A_96 : memref<1x8x1024xf32, #tpu.memory_space<hbm>> -> memref<8x1024xf32, #tpu.memory_space<hbm>>
    tpu.wait_dma2 semaphore(%arg15 : memref<!tpu.dma_semaphore, #tpu.memory_space<semaphore_mem>>) src(%arg7 : memref<8x1024xf32, #tpu.memory_space<vmem>>) dst(%dma_wait3A_97 : memref<8x1024xf32, #tpu.memory_space<hbm>>)
    %add3A_98 = arith.constant 0 : i32
    %add3A_99 = arith.addi %add3A_4, %add3A_98 : i32
    %dma_start3A_100 = arith.constant 3 : i32
    %dma_start3A_101 = arith.constant 0 : i32
    %dma_start3A_102 = tpu.memref_slice %arg2[%dma_start3A_100, %add3A_99, %dma_start3A_101] : memref<4x4096x1024xf32, #tpu.memory_space<hbm>> -> memref<1x8x1024xf32, #tpu.memory_space<hbm>>
    %dma_start3A_103 = tpu.memref_squeeze %dma_start3A_102 : memref<1x8x1024xf32, #tpu.memory_space<hbm>> -> memref<8x1024xf32, #tpu.memory_space<hbm>>
    %dma_start3A_104 = arith.constant 0 : i32
    %dma_start3A_105 = tpu.memref_slice %arg2[%dma_start3A_100, %add3A_99, %dma_start3A_104] : memref<4x4096x1024xf32, #tpu.memory_space<hbm>> -> memref<1x8x1024xf32, #tpu.memory_space<hbm>>
    %dma_start3A_106 = tpu.memref_squeeze %dma_start3A_105 : memref<1x8x1024xf32, #tpu.memory_space<hbm>> -> memref<8x1024xf32, #tpu.memory_space<hbm>>
    tpu.enqueue_dma source(%dma_start3A_106 : memref<8x1024xf32, #tpu.memory_space<hbm>>) target(%arg7 : memref<8x1024xf32, #tpu.memory_space<vmem>>) target_semaphore(%arg12 : memref<!tpu.dma_semaphore, #tpu.memory_space<semaphore_mem>>)
    %add3A_107 = arith.constant 0 : i32
    %add3A_108 = arith.addi %add3A_4, %add3A_107 : i32
    %dma_wait3A_109 = arith.constant 2 : i32
    %dma_wait3A_110 = arith.constant 0 : i32
    %dma_wait3A_111 = tpu.memref_slice %arg2[%dma_wait3A_109, %add3A_108, %dma_wait3A_110] : memref<4x4096x1024xf32, #tpu.memory_space<hbm>> -> memref<1x8x1024xf32, #tpu.memory_space<hbm>>
    %dma_wait3A_112 = tpu.memref_squeeze %dma_wait3A_111 : memref<1x8x1024xf32, #tpu.memory_space<hbm>> -> memref<8x1024xf32, #tpu.memory_space<hbm>>
    %dma_wait3A_113 = arith.constant 0 : i32
    %dma_wait3A_114 = tpu.memref_slice %arg2[%dma_wait3A_109, %add3A_108, %dma_wait3A_113] : memref<4x4096x1024xf32, #tpu.memory_space<hbm>> -> memref<1x8x1024xf32, #tpu.memory_space<hbm>>
    %dma_wait3A_115 = tpu.memref_squeeze %dma_wait3A_114 : memref<1x8x1024xf32, #tpu.memory_space<hbm>> -> memref<8x1024xf32, #tpu.memory_space<hbm>>
    tpu.wait_dma2 semaphore(%arg14 : memref<!tpu.dma_semaphore, #tpu.memory_space<semaphore_mem>>) src(%dma_wait3A_115 : memref<8x1024xf32, #tpu.memory_space<hbm>>) dst(%arg9 : memref<8x1024xf32, #tpu.memory_space<vmem>>)
    %scan3A_116 = arith.constant 0 : i32
    %scan3A_117 = arith.constant 0 : i32
    %scan3A_118 = arith.constant 8 : i32
    %scan3A_119 = arith.addi %scan3A_117, %scan3A_118 : i32
    %scan3A_120 = arith.constant 1 : i32
    scf.for %scan3A_182 = %scan3A_117 to %scan3A_119 step %scan3A_120  : i32 {
      %scan3A_183 = arith.constant 0 : i32
      %scan3A_184 = arith.constant 8 : i32
      %scan3A_185 = arith.addi %scan3A_183, %scan3A_184 : i32
      %scan3A_186 = arith.constant 1 : i32
      scf.for %scan3A_188 = %scan3A_183 to %scan3A_185 step %scan3A_186  : i32 {
        %mul3A_189 = arith.constant 8 : i32
        %mul3A_190 = arith.muli %scan3A_188, %mul3A_189 : i32
        %add3A_191 = arith.constant 0 : i32
        %add3A_192 = arith.addi %mul3A_190, %add3A_191 : i32
        %mul3A_193 = arith.constant 16 : i32
        %mul3A_194 = arith.muli %add3A_192, %mul3A_193 : i32
        %get3A = arith.index_cast %scan3A_182 : i32 to index
        %get3A_195 = arith.index_cast %mul3A_194 : i32 to index
        %get3A_196 = tpu.vector_load %arg5[%get3A, %get3A_195] {strides = array<i32>} : memref<8x1024xf32, #tpu.memory_space<vmem>>, vector<1x16xf32>,
        %get3A_197 = vector.shape_cast %get3A_196 : vector<1x16xf32> to vector<16xf32>
        %swap3A = arith.index_cast %scan3A_182 : i32 to index
        %swap3A_198 = arith.index_cast %mul3A_194 : i32 to index
        %swap3A_199 = tpu.vector_load %arg9[%swap3A, %swap3A_198] {strides = array<i32>} : memref<8x1024xf32, #tpu.memory_space<vmem>>, vector<1x16xf32>,
        %swap3A_200 = vector.shape_cast %swap3A_199 : vector<1x16xf32> to vector<16xf32>
        %swap3A_201 = vector.shape_cast %get3A_197 : vector<16xf32> to vector<1x16xf32>
        tpu.vector_store %arg9[%swap3A, %swap3A_198], %swap3A_201 {add = true, strides = array<i32>} : memref<8x1024xf32, #tpu.memory_space<vmem>>, vector<1x16xf32>,
        %mul3A_202 = arith.constant 8 : i32
        %mul3A_203 = arith.muli %scan3A_188, %mul3A_202 : i32
        %add3A_204 = arith.constant 1 : i32
        %add3A_205 = arith.addi %mul3A_203, %add3A_204 : i32
        %mul3A_206 = arith.constant 16 : i32
        %mul3A_207 = arith.muli %add3A_205, %mul3A_206 : i32
        %get3A_208 = arith.index_cast %scan3A_182 : i32 to index
        %get3A_209 = arith.index_cast %mul3A_207 : i32 to index
        %get3A_210 = tpu.vector_load %arg5[%get3A_208, %get3A_209] {strides = array<i32>} : memref<8x1024xf32, #tpu.memory_space<vmem>>, vector<1x16xf32>,
        %get3A_211 = vector.shape_cast %get3A_210 : vector<1x16xf32> to vector<16xf32>
        %swap3A_212 = arith.index_cast %scan3A_182 : i32 to index
        %swap3A_213 = arith.index_cast %mul3A_207 : i32 to index
        %swap3A_214 = tpu.vector_load %arg9[%swap3A_212, %swap3A_213] {strides = array<i32>} : memref<8x1024xf32, #tpu.memory_space<vmem>>, vector<1x16xf32>,
        %swap3A_215 = vector.shape_cast %swap3A_214 : vector<1x16xf32> to vector<16xf32>
        %swap3A_216 = vector.shape_cast %get3A_211 : vector<16xf32> to vector<1x16xf32>
        tpu.vector_store %arg9[%swap3A_212, %swap3A_213], %swap3A_216 {add = true, strides = array<i32>} : memref<8x1024xf32, #tpu.memory_space<vmem>>, vector<1x16xf32>,
        %mul3A_217 = arith.constant 8 : i32
        %mul3A_218 = arith.muli %scan3A_188, %mul3A_217 : i32
        %add3A_219 = arith.constant 2 : i32
        %add3A_220 = arith.addi %mul3A_218, %add3A_219 : i32
        %mul3A_221 = arith.constant 16 : i32
        %mul3A_222 = arith.muli %add3A_220, %mul3A_221 : i32
        %get3A_223 = arith.index_cast %scan3A_182 : i32 to index
        %get3A_224 = arith.index_cast %mul3A_222 : i32 to index
        %get3A_225 = tpu.vector_load %arg5[%get3A_223, %get3A_224] {strides = array<i32>} : memref<8x1024xf32, #tpu.memory_space<vmem>>, vector<1x16xf32>,
        %get3A_226 = vector.shape_cast %get3A_225 : vector<1x16xf32> to vector<16xf32>
        %swap3A_227 = arith.index_cast %scan3A_182 : i32 to index
        %swap3A_228 = arith.index_cast %mul3A_222 : i32 to index
        %swap3A_229 = tpu.vector_load %arg9[%swap3A_227, %swap3A_228] {strides = array<i32>} : memref<8x1024xf32, #tpu.memory_space<vmem>>, vector<1x16xf32>,
        %swap3A_230 = vector.shape_cast %swap3A_229 : vector<1x16xf32> to vector<16xf32>
        %swap3A_231 = vector.shape_cast %get3A_226 : vector<16xf32> to vector<1x16xf32>
        tpu.vector_store %arg9[%swap3A_227, %swap3A_228], %swap3A_231 {add = true, strides = array<i32>} : memref<8x1024xf32, #tpu.memory_space<vmem>>, vector<1x16xf32>,
        %mul3A_232 = arith.constant 8 : i32
        %mul3A_233 = arith.muli %scan3A_188, %mul3A_232 : i32
        %add3A_234 = arith.constant 3 : i32
        %add3A_235 = arith.addi %mul3A_233, %add3A_234 : i32
        %mul3A_236 = arith.constant 16 : i32
        %mul3A_237 = arith.muli %add3A_235, %mul3A_236 : i32
        %get3A_238 = arith.index_cast %scan3A_182 : i32 to index
        %get3A_239 = arith.index_cast %mul3A_237 : i32 to index
        %get3A_240 = tpu.vector_load %arg5[%get3A_238, %get3A_239] {strides = array<i32>} : memref<8x1024xf32, #tpu.memory_space<vmem>>, vector<1x16xf32>,
        %get3A_241 = vector.shape_cast %get3A_240 : vector<1x16xf32> to vector<16xf32>
        %swap3A_242 = arith.index_cast %scan3A_182 : i32 to index
        %swap3A_243 = arith.index_cast %mul3A_237 : i32 to index
        %swap3A_244 = tpu.vector_load %arg9[%swap3A_242, %swap3A_243] {strides = array<i32>} : memref<8x1024xf32, #tpu.memory_space<vmem>>, vector<1x16xf32>,
        %swap3A_245 = vector.shape_cast %swap3A_244 : vector<1x16xf32> to vector<16xf32>
        %swap3A_246 = vector.shape_cast %get3A_241 : vector<16xf32> to vector<1x16xf32>
        tpu.vector_store %arg9[%swap3A_242, %swap3A_243], %swap3A_246 {add = true, strides = array<i32>} : memref<8x1024xf32, #tpu.memory_space<vmem>>, vector<1x16xf32>,
        %mul3A_247 = arith.constant 8 : i32
        %mul3A_248 = arith.muli %scan3A_188, %mul3A_247 : i32
        %add3A_249 = arith.constant 4 : i32
        %add3A_250 = arith.addi %mul3A_248, %add3A_249 : i32
        %mul3A_251 = arith.constant 16 : i32
        %mul3A_252 = arith.muli %add3A_250, %mul3A_251 : i32
        %get3A_253 = arith.index_cast %scan3A_182 : i32 to index
        %get3A_254 = arith.index_cast %mul3A_252 : i32 to index
        %get3A_255 = tpu.vector_load %arg5[%get3A_253, %get3A_254] {strides = array<i32>} : memref<8x1024xf32, #tpu.memory_space<vmem>>, vector<1x16xf32>,
        %get3A_256 = vector.shape_cast %get3A_255 : vector<1x16xf32> to vector<16xf32>
        %swap3A_257 = arith.index_cast %scan3A_182 : i32 to index
        %swap3A_258 = arith.index_cast %mul3A_252 : i32 to index
        %swap3A_259 = tpu.vector_load %arg9[%swap3A_257, %swap3A_258] {strides = array<i32>} : memref<8x1024xf32, #tpu.memory_space<vmem>>, vector<1x16xf32>,
        %swap3A_260 = vector.shape_cast %swap3A_259 : vector<1x16xf32> to vector<16xf32>
        %swap3A_261 = vector.shape_cast %get3A_256 : vector<16xf32> to vector<1x16xf32>
        tpu.vector_store %arg9[%swap3A_257, %swap3A_258], %swap3A_261 {add = true, strides = array<i32>} : memref<8x1024xf32, #tpu.memory_space<vmem>>, vector<1x16xf32>,
        %mul3A_262 = arith.constant 8 : i32
        %mul3A_263 = arith.muli %scan3A_188, %mul3A_262 : i32
        %add3A_264 = arith.constant 5 : i32
        %add3A_265 = arith.addi %mul3A_263, %add3A_264 : i32
        %mul3A_266 = arith.constant 16 : i32
        %mul3A_267 = arith.muli %add3A_265, %mul3A_266 : i32
        %get3A_268 = arith.index_cast %scan3A_182 : i32 to index
        %get3A_269 = arith.index_cast %mul3A_267 : i32 to index
        %get3A_270 = tpu.vector_load %arg5[%get3A_268, %get3A_269] {strides = array<i32>} : memref<8x1024xf32, #tpu.memory_space<vmem>>, vector<1x16xf32>,
        %get3A_271 = vector.shape_cast %get3A_270 : vector<1x16xf32> to vector<16xf32>
        %swap3A_272 = arith.index_cast %scan3A_182 : i32 to index
        %swap3A_273 = arith.index_cast %mul3A_267 : i32 to index
        %swap3A_274 = tpu.vector_load %arg9[%swap3A_272, %swap3A_273] {strides = array<i32>} : memref<8x1024xf32, #tpu.memory_space<vmem>>, vector<1x16xf32>,
        %swap3A_275 = vector.shape_cast %swap3A_274 : vector<1x16xf32> to vector<16xf32>
        %swap3A_276 = vector.shape_cast %get3A_271 : vector<16xf32> to vector<1x16xf32>
        tpu.vector_store %arg9[%swap3A_272, %swap3A_273], %swap3A_276 {add = true, strides = array<i32>} : memref<8x1024xf32, #tpu.memory_space<vmem>>, vector<1x16xf32>,
        %mul3A_277 = arith.constant 8 : i32
        %mul3A_278 = arith.muli %scan3A_188, %mul3A_277 : i32
        %add3A_279 = arith.constant 6 : i32
        %add3A_280 = arith.addi %mul3A_278, %add3A_279 : i32
        %mul3A_281 = arith.constant 16 : i32
        %mul3A_282 = arith.muli %add3A_280, %mul3A_281 : i32
        %get3A_283 = arith.index_cast %scan3A_182 : i32 to index
        %get3A_284 = arith.index_cast %mul3A_282 : i32 to index
        %get3A_285 = tpu.vector_load %arg5[%get3A_283, %get3A_284] {strides = array<i32>} : memref<8x1024xf32, #tpu.memory_space<vmem>>, vector<1x16xf32>,
        %get3A_286 = vector.shape_cast %get3A_285 : vector<1x16xf32> to vector<16xf32>
        %swap3A_287 = arith.index_cast %scan3A_182 : i32 to index
        %swap3A_288 = arith.index_cast %mul3A_282 : i32 to index
        %swap3A_289 = tpu.vector_load %arg9[%swap3A_287, %swap3A_288] {strides = array<i32>} : memref<8x1024xf32, #tpu.memory_space<vmem>>, vector<1x16xf32>,
        %swap3A_290 = vector.shape_cast %swap3A_289 : vector<1x16xf32> to vector<16xf32>
        %swap3A_291 = vector.shape_cast %get3A_286 : vector<16xf32> to vector<1x16xf32>
        tpu.vector_store %arg9[%swap3A_287, %swap3A_288], %swap3A_291 {add = true, strides = array<i32>} : memref<8x1024xf32, #tpu.memory_space<vmem>>, vector<1x16xf32>,
        %mul3A_292 = arith.constant 8 : i32
        %mul3A_293 = arith.muli %scan3A_188, %mul3A_292 : i32
        %add3A_294 = arith.constant 7 : i32
        %add3A_295 = arith.addi %mul3A_293, %add3A_294 : i32
        %mul3A_296 = arith.constant 16 : i32
        %mul3A_297 = arith.muli %add3A_295, %mul3A_296 : i32
        %get3A_298 = arith.index_cast %scan3A_182 : i32 to index
        %get3A_299 = arith.index_cast %mul3A_297 : i32 to index
        %get3A_300 = tpu.vector_load %arg5[%get3A_298, %get3A_299] {strides = array<i32>} : memref<8x1024xf32, #tpu.memory_space<vmem>>, vector<1x16xf32>,
        %get3A_301 = vector.shape_cast %get3A_300 : vector<1x16xf32> to vector<16xf32>
        %swap3A_302 = arith.index_cast %scan3A_182 : i32 to index
        %swap3A_303 = arith.index_cast %mul3A_297 : i32 to index
        %swap3A_304 = tpu.vector_load %arg9[%swap3A_302, %swap3A_303] {strides = array<i32>} : memref<8x1024xf32, #tpu.memory_space<vmem>>, vector<1x16xf32>,
        %swap3A_305 = vector.shape_cast %swap3A_304 : vector<1x16xf32> to vector<16xf32>
        %swap3A_306 = vector.shape_cast %get3A_301 : vector<16xf32> to vector<1x16xf32>
        tpu.vector_store %arg9[%swap3A_302, %swap3A_303], %swap3A_306 {add = true, strides = array<i32>} : memref<8x1024xf32, #tpu.memory_space<vmem>>, vector<1x16xf32>,
      }
      %scan3A_187 = arith.constant 8 : i32
    }
    %scan3A_121 = arith.constant 8 : i32
    %add3A_122 = arith.constant 0 : i32
    %add3A_123 = arith.addi %mul3A_2, %add3A_122 : i32
    %dma_start3A_124 = arith.constant 2 : i32
    %dma_start3A_125 = arith.constant 0 : i32
    %dma_start3A_126 = tpu.memref_slice %arg4[%dma_start3A_124, %add3A_123, %dma_start3A_125] : memref<4x256x1024xf32, #tpu.memory_space<hbm>> -> memref<1x8x1024xf32, #tpu.memory_space<hbm>>
    %dma_start3A_127 = tpu.memref_squeeze %dma_start3A_126 : memref<1x8x1024xf32, #tpu.memory_space<hbm>> -> memref<8x1024xf32, #tpu.memory_space<hbm>>
    %dma_start3A_128 = arith.constant 0 : i32
    %dma_start3A_129 = tpu.memref_slice %arg4[%dma_start3A_124, %add3A_123, %dma_start3A_128] : memref<4x256x1024xf32, #tpu.memory_space<hbm>> -> memref<1x8x1024xf32, #tpu.memory_space<hbm>>
    %dma_start3A_130 = tpu.memref_squeeze %dma_start3A_129 : memref<1x8x1024xf32, #tpu.memory_space<hbm>> -> memref<8x1024xf32, #tpu.memory_space<hbm>>
    tpu.enqueue_dma source(%arg9 : memref<8x1024xf32, #tpu.memory_space<vmem>>) target(%dma_start3A_130 : memref<8x1024xf32, #tpu.memory_space<hbm>>) target_semaphore(%arg17 : memref<!tpu.dma_semaphore, #tpu.memory_space<semaphore_mem>>)
    %add3A_131 = arith.constant 0 : i32
    %add3A_132 = arith.addi %add3A_4, %add3A_131 : i32
    %dma_wait3A_133 = arith.constant 3 : i32
    %dma_wait3A_134 = arith.constant 0 : i32
    %dma_wait3A_135 = tpu.memref_slice %arg2[%dma_wait3A_133, %add3A_132, %dma_wait3A_134] : memref<4x4096x1024xf32, #tpu.memory_space<hbm>> -> memref<1x8x1024xf32, #tpu.memory_space<hbm>>
    %dma_wait3A_136 = tpu.memref_squeeze %dma_wait3A_135 : memref<1x8x1024xf32, #tpu.memory_space<hbm>> -> memref<8x1024xf32, #tpu.memory_space<hbm>>
    %dma_wait3A_137 = arith.constant 0 : i32
    %dma_wait3A_138 = tpu.memref_slice %arg2[%dma_wait3A_133, %add3A_132, %dma_wait3A_137] : memref<4x4096x1024xf32, #tpu.memory_space<hbm>> -> memref<1x8x1024xf32, #tpu.memory_space<hbm>>
    %dma_wait3A_139 = tpu.memref_squeeze %dma_wait3A_138 : memref<1x8x1024xf32, #tpu.memory_space<hbm>> -> memref<8x1024xf32, #tpu.memory_space<hbm>>
    tpu.wait_dma2 semaphore(%arg12 : memref<!tpu.dma_semaphore, #tpu.memory_space<semaphore_mem>>) src(%dma_wait3A_139 : memref<8x1024xf32, #tpu.memory_space<hbm>>) dst(%arg7 : memref<8x1024xf32, #tpu.memory_space<vmem>>)
    %scan3A_140 = arith.constant 0 : i32
    %scan3A_141 = arith.constant 0 : i32
    %scan3A_142 = arith.constant 8 : i32
    %scan3A_143 = arith.addi %scan3A_141, %scan3A_142 : i32
    %scan3A_144 = arith.constant 1 : i32
    scf.for %scan3A_182 = %scan3A_141 to %scan3A_143 step %scan3A_144  : i32 {
      %scan3A_183 = arith.constant 0 : i32
      %scan3A_184 = arith.constant 8 : i32
      %scan3A_185 = arith.addi %scan3A_183, %scan3A_184 : i32
      %scan3A_186 = arith.constant 1 : i32
      scf.for %scan3A_188 = %scan3A_183 to %scan3A_185 step %scan3A_186  : i32 {
        %mul3A_189 = arith.constant 8 : i32
        %mul3A_190 = arith.muli %scan3A_188, %mul3A_189 : i32
        %add3A_191 = arith.constant 0 : i32
        %add3A_192 = arith.addi %mul3A_190, %add3A_191 : i32
        %mul3A_193 = arith.constant 16 : i32
        %mul3A_194 = arith.muli %add3A_192, %mul3A_193 : i32
        %get3A = arith.index_cast %scan3A_182 : i32 to index
        %get3A_195 = arith.index_cast %mul3A_194 : i32 to index
        %get3A_196 = tpu.vector_load %arg5[%get3A, %get3A_195] {strides = array<i32>} : memref<8x1024xf32, #tpu.memory_space<vmem>>, vector<1x16xf32>,
        %get3A_197 = vector.shape_cast %get3A_196 : vector<1x16xf32> to vector<16xf32>
        %swap3A = arith.index_cast %scan3A_182 : i32 to index
        %swap3A_198 = arith.index_cast %mul3A_194 : i32 to index
        %swap3A_199 = tpu.vector_load %arg7[%swap3A, %swap3A_198] {strides = array<i32>} : memref<8x1024xf32, #tpu.memory_space<vmem>>, vector<1x16xf32>,
        %swap3A_200 = vector.shape_cast %swap3A_199 : vector<1x16xf32> to vector<16xf32>
        %swap3A_201 = vector.shape_cast %get3A_197 : vector<16xf32> to vector<1x16xf32>
        tpu.vector_store %arg7[%swap3A, %swap3A_198], %swap3A_201 {add = true, strides = array<i32>} : memref<8x1024xf32, #tpu.memory_space<vmem>>, vector<1x16xf32>,
        %mul3A_202 = arith.constant 8 : i32
        %mul3A_203 = arith.muli %scan3A_188, %mul3A_202 : i32
        %add3A_204 = arith.constant 1 : i32
        %add3A_205 = arith.addi %mul3A_203, %add3A_204 : i32
        %mul3A_206 = arith.constant 16 : i32
        %mul3A_207 = arith.muli %add3A_205, %mul3A_206 : i32
        %get3A_208 = arith.index_cast %scan3A_182 : i32 to index
        %get3A_209 = arith.index_cast %mul3A_207 : i32 to index
        %get3A_210 = tpu.vector_load %arg5[%get3A_208, %get3A_209] {strides = array<i32>} : memref<8x1024xf32, #tpu.memory_space<vmem>>, vector<1x16xf32>,
        %get3A_211 = vector.shape_cast %get3A_210 : vector<1x16xf32> to vector<16xf32>
        %swap3A_212 = arith.index_cast %scan3A_182 : i32 to index
        %swap3A_213 = arith.index_cast %mul3A_207 : i32 to index
        %swap3A_214 = tpu.vector_load %arg7[%swap3A_212, %swap3A_213] {strides = array<i32>} : memref<8x1024xf32, #tpu.memory_space<vmem>>, vector<1x16xf32>,
        %swap3A_215 = vector.shape_cast %swap3A_214 : vector<1x16xf32> to vector<16xf32>
        %swap3A_216 = vector.shape_cast %get3A_211 : vector<16xf32> to vector<1x16xf32>
        tpu.vector_store %arg7[%swap3A_212, %swap3A_213], %swap3A_216 {add = true, strides = array<i32>} : memref<8x1024xf32, #tpu.memory_space<vmem>>, vector<1x16xf32>,
        %mul3A_217 = arith.constant 8 : i32
        %mul3A_218 = arith.muli %scan3A_188, %mul3A_217 : i32
        %add3A_219 = arith.constant 2 : i32
        %add3A_220 = arith.addi %mul3A_218, %add3A_219 : i32
        %mul3A_221 = arith.constant 16 : i32
        %mul3A_222 = arith.muli %add3A_220, %mul3A_221 : i32
        %get3A_223 = arith.index_cast %scan3A_182 : i32 to index
        %get3A_224 = arith.index_cast %mul3A_222 : i32 to index
        %get3A_225 = tpu.vector_load %arg5[%get3A_223, %get3A_224] {strides = array<i32>} : memref<8x1024xf32, #tpu.memory_space<vmem>>, vector<1x16xf32>,
        %get3A_226 = vector.shape_cast %get3A_225 : vector<1x16xf32> to vector<16xf32>
        %swap3A_227 = arith.index_cast %scan3A_182 : i32 to index
        %swap3A_228 = arith.index_cast %mul3A_222 : i32 to index
        %swap3A_229 = tpu.vector_load %arg7[%swap3A_227, %swap3A_228] {strides = array<i32>} : memref<8x1024xf32, #tpu.memory_space<vmem>>, vector<1x16xf32>,
        %swap3A_230 = vector.shape_cast %swap3A_229 : vector<1x16xf32> to vector<16xf32>
        %swap3A_231 = vector.shape_cast %get3A_226 : vector<16xf32> to vector<1x16xf32>
        tpu.vector_store %arg7[%swap3A_227, %swap3A_228], %swap3A_231 {add = true, strides = array<i32>} : memref<8x1024xf32, #tpu.memory_space<vmem>>, vector<1x16xf32>,
        %mul3A_232 = arith.constant 8 : i32
        %mul3A_233 = arith.muli %scan3A_188, %mul3A_232 : i32
        %add3A_234 = arith.constant 3 : i32
        %add3A_235 = arith.addi %mul3A_233, %add3A_234 : i32
        %mul3A_236 = arith.constant 16 : i32
        %mul3A_237 = arith.muli %add3A_235, %mul3A_236 : i32
        %get3A_238 = arith.index_cast %scan3A_182 : i32 to index
        %get3A_239 = arith.index_cast %mul3A_237 : i32 to index
        %get3A_240 = tpu.vector_load %arg5[%get3A_238, %get3A_239] {strides = array<i32>} : memref<8x1024xf32, #tpu.memory_space<vmem>>, vector<1x16xf32>,
        %get3A_241 = vector.shape_cast %get3A_240 : vector<1x16xf32> to vector<16xf32>
        %swap3A_242 = arith.index_cast %scan3A_182 : i32 to index
        %swap3A_243 = arith.index_cast %mul3A_237 : i32 to index
        %swap3A_244 = tpu.vector_load %arg7[%swap3A_242, %swap3A_243] {strides = array<i32>} : memref<8x1024xf32, #tpu.memory_space<vmem>>, vector<1x16xf32>,
        %swap3A_245 = vector.shape_cast %swap3A_244 : vector<1x16xf32> to vector<16xf32>
        %swap3A_246 = vector.shape_cast %get3A_241 : vector<16xf32> to vector<1x16xf32>
        tpu.vector_store %arg7[%swap3A_242, %swap3A_243], %swap3A_246 {add = true, strides = array<i32>} : memref<8x1024xf32, #tpu.memory_space<vmem>>, vector<1x16xf32>,
        %mul3A_247 = arith.constant 8 : i32
        %mul3A_248 = arith.muli %scan3A_188, %mul3A_247 : i32
        %add3A_249 = arith.constant 4 : i32
        %add3A_250 = arith.addi %mul3A_248, %add3A_249 : i32
        %mul3A_251 = arith.constant 16 : i32
        %mul3A_252 = arith.muli %add3A_250, %mul3A_251 : i32
        %get3A_253 = arith.index_cast %scan3A_182 : i32 to index
        %get3A_254 = arith.index_cast %mul3A_252 : i32 to index
        %get3A_255 = tpu.vector_load %arg5[%get3A_253, %get3A_254] {strides = array<i32>} : memref<8x1024xf32, #tpu.memory_space<vmem>>, vector<1x16xf32>,
        %get3A_256 = vector.shape_cast %get3A_255 : vector<1x16xf32> to vector<16xf32>
        %swap3A_257 = arith.index_cast %scan3A_182 : i32 to index
        %swap3A_258 = arith.index_cast %mul3A_252 : i32 to index
        %swap3A_259 = tpu.vector_load %arg7[%swap3A_257, %swap3A_258] {strides = array<i32>} : memref<8x1024xf32, #tpu.memory_space<vmem>>, vector<1x16xf32>,
        %swap3A_260 = vector.shape_cast %swap3A_259 : vector<1x16xf32> to vector<16xf32>
        %swap3A_261 = vector.shape_cast %get3A_256 : vector<16xf32> to vector<1x16xf32>
        tpu.vector_store %arg7[%swap3A_257, %swap3A_258], %swap3A_261 {add = true, strides = array<i32>} : memref<8x1024xf32, #tpu.memory_space<vmem>>, vector<1x16xf32>,
        %mul3A_262 = arith.constant 8 : i32
        %mul3A_263 = arith.muli %scan3A_188, %mul3A_262 : i32
        %add3A_264 = arith.constant 5 : i32
        %add3A_265 = arith.addi %mul3A_263, %add3A_264 : i32
        %mul3A_266 = arith.constant 16 : i32
        %mul3A_267 = arith.muli %add3A_265, %mul3A_266 : i32
        %get3A_268 = arith.index_cast %scan3A_182 : i32 to index
        %get3A_269 = arith.index_cast %mul3A_267 : i32 to index
        %get3A_270 = tpu.vector_load %arg5[%get3A_268, %get3A_269] {strides = array<i32>} : memref<8x1024xf32, #tpu.memory_space<vmem>>, vector<1x16xf32>,
        %get3A_271 = vector.shape_cast %get3A_270 : vector<1x16xf32> to vector<16xf32>
        %swap3A_272 = arith.index_cast %scan3A_182 : i32 to index
        %swap3A_273 = arith.index_cast %mul3A_267 : i32 to index
        %swap3A_274 = tpu.vector_load %arg7[%swap3A_272, %swap3A_273] {strides = array<i32>} : memref<8x1024xf32, #tpu.memory_space<vmem>>, vector<1x16xf32>,
        %swap3A_275 = vector.shape_cast %swap3A_274 : vector<1x16xf32> to vector<16xf32>
        %swap3A_276 = vector.shape_cast %get3A_271 : vector<16xf32> to vector<1x16xf32>
        tpu.vector_store %arg7[%swap3A_272, %swap3A_273], %swap3A_276 {add = true, strides = array<i32>} : memref<8x1024xf32, #tpu.memory_space<vmem>>, vector<1x16xf32>,
        %mul3A_277 = arith.constant 8 : i32
        %mul3A_278 = arith.muli %scan3A_188, %mul3A_277 : i32
        %add3A_279 = arith.constant 6 : i32
        %add3A_280 = arith.addi %mul3A_278, %add3A_279 : i32
        %mul3A_281 = arith.constant 16 : i32
        %mul3A_282 = arith.muli %add3A_280, %mul3A_281 : i32
        %get3A_283 = arith.index_cast %scan3A_182 : i32 to index
        %get3A_284 = arith.index_cast %mul3A_282 : i32 to index
        %get3A_285 = tpu.vector_load %arg5[%get3A_283, %get3A_284] {strides = array<i32>} : memref<8x1024xf32, #tpu.memory_space<vmem>>, vector<1x16xf32>,
        %get3A_286 = vector.shape_cast %get3A_285 : vector<1x16xf32> to vector<16xf32>
        %swap3A_287 = arith.index_cast %scan3A_182 : i32 to index
        %swap3A_288 = arith.index_cast %mul3A_282 : i32 to index
        %swap3A_289 = tpu.vector_load %arg7[%swap3A_287, %swap3A_288] {strides = array<i32>} : memref<8x1024xf32, #tpu.memory_space<vmem>>, vector<1x16xf32>,
        %swap3A_290 = vector.shape_cast %swap3A_289 : vector<1x16xf32> to vector<16xf32>
        %swap3A_291 = vector.shape_cast %get3A_286 : vector<16xf32> to vector<1x16xf32>
        tpu.vector_store %arg7[%swap3A_287, %swap3A_288], %swap3A_291 {add = true, strides = array<i32>} : memref<8x1024xf32, #tpu.memory_space<vmem>>, vector<1x16xf32>,
        %mul3A_292 = arith.constant 8 : i32
        %mul3A_293 = arith.muli %scan3A_188, %mul3A_292 : i32
        %add3A_294 = arith.constant 7 : i32
        %add3A_295 = arith.addi %mul3A_293, %add3A_294 : i32
        %mul3A_296 = arith.constant 16 : i32
        %mul3A_297 = arith.muli %add3A_295, %mul3A_296 : i32
        %get3A_298 = arith.index_cast %scan3A_182 : i32 to index
        %get3A_299 = arith.index_cast %mul3A_297 : i32 to index
        %get3A_300 = tpu.vector_load %arg5[%get3A_298, %get3A_299] {strides = array<i32>} : memref<8x1024xf32, #tpu.memory_space<vmem>>, vector<1x16xf32>,
        %get3A_301 = vector.shape_cast %get3A_300 : vector<1x16xf32> to vector<16xf32>
        %swap3A_302 = arith.index_cast %scan3A_182 : i32 to index
        %swap3A_303 = arith.index_cast %mul3A_297 : i32 to index
        %swap3A_304 = tpu.vector_load %arg7[%swap3A_302, %swap3A_303] {strides = array<i32>} : memref<8x1024xf32, #tpu.memory_space<vmem>>, vector<1x16xf32>,
        %swap3A_305 = vector.shape_cast %swap3A_304 : vector<1x16xf32> to vector<16xf32>
        %swap3A_306 = vector.shape_cast %get3A_301 : vector<16xf32> to vector<1x16xf32>
        tpu.vector_store %arg7[%swap3A_302, %swap3A_303], %swap3A_306 {add = true, strides = array<i32>} : memref<8x1024xf32, #tpu.memory_space<vmem>>, vector<1x16xf32>,
      }
      %scan3A_187 = arith.constant 8 : i32
    }
    %scan3A_145 = arith.constant 8 : i32
    %add3A_146 = arith.constant 0 : i32
    %add3A_147 = arith.addi %mul3A_2, %add3A_146 : i32
    %dma_start3A_148 = arith.constant 3 : i32
    %dma_start3A_149 = arith.constant 0 : i32
    %dma_start3A_150 = tpu.memref_slice %arg4[%dma_start3A_148, %add3A_147, %dma_start3A_149] : memref<4x256x1024xf32, #tpu.memory_space<hbm>> -> memref<1x8x1024xf32, #tpu.memory_space<hbm>>
    %dma_start3A_151 = tpu.memref_squeeze %dma_start3A_150 : memref<1x8x1024xf32, #tpu.memory_space<hbm>> -> memref<8x1024xf32, #tpu.memory_space<hbm>>
    %dma_start3A_152 = arith.constant 0 : i32
    %dma_start3A_153 = tpu.memref_slice %arg4[%dma_start3A_148, %add3A_147, %dma_start3A_152] : memref<4x256x1024xf32, #tpu.memory_space<hbm>> -> memref<1x8x1024xf32, #tpu.memory_space<hbm>>
    %dma_start3A_154 = tpu.memref_squeeze %dma_start3A_153 : memref<1x8x1024xf32, #tpu.memory_space<hbm>> -> memref<8x1024xf32, #tpu.memory_space<hbm>>
    tpu.enqueue_dma source(%arg7 : memref<8x1024xf32, #tpu.memory_space<vmem>>) target(%dma_start3A_154 : memref<8x1024xf32, #tpu.memory_space<hbm>>) target_semaphore(%arg15 : memref<!tpu.dma_semaphore, #tpu.memory_space<semaphore_mem>>)
    %add3A_155 = arith.constant 0 : i32
    %add3A_156 = arith.addi %mul3A_2, %add3A_155 : i32
    %dma_wait3A_157 = arith.constant 1 : i32
    %dma_wait3A_158 = arith.constant 0 : i32
    %dma_wait3A_159 = tpu.memref_slice %arg4[%dma_wait3A_157, %add3A_156, %dma_wait3A_158] : memref<4x256x1024xf32, #tpu.memory_space<hbm>> -> memref<1x8x1024xf32, #tpu.memory_space<hbm>>
    %dma_wait3A_160 = tpu.memref_squeeze %dma_wait3A_159 : memref<1x8x1024xf32, #tpu.memory_space<hbm>> -> memref<8x1024xf32, #tpu.memory_space<hbm>>
    %dma_wait3A_161 = arith.constant 0 : i32
    %dma_wait3A_162 = tpu.memref_slice %arg4[%dma_wait3A_157, %add3A_156, %dma_wait3A_161] : memref<4x256x1024xf32, #tpu.memory_space<hbm>> -> memref<1x8x1024xf32, #tpu.memory_space<hbm>>
    %dma_wait3A_163 = tpu.memref_squeeze %dma_wait3A_162 : memref<1x8x1024xf32, #tpu.memory_space<hbm>> -> memref<8x1024xf32, #tpu.memory_space<hbm>>
    tpu.wait_dma2 semaphore(%arg16 : memref<!tpu.dma_semaphore, #tpu.memory_space<semaphore_mem>>) src(%arg8 : memref<8x1024xf32, #tpu.memory_space<vmem>>) dst(%dma_wait3A_163 : memref<8x1024xf32, #tpu.memory_space<hbm>>)
    %add3A_164 = arith.constant 0 : i32
    %add3A_165 = arith.addi %mul3A_2, %add3A_164 : i32
    %dma_wait3A_166 = arith.constant 2 : i32
    %dma_wait3A_167 = arith.constant 0 : i32
    %dma_wait3A_168 = tpu.memref_slice %arg4[%dma_wait3A_166, %add3A_165, %dma_wait3A_167] : memref<4x256x1024xf32, #tpu.memory_space<hbm>> -> memref<1x8x1024xf32, #tpu.memory_space<hbm>>
    %dma_wait3A_169 = tpu.memref_squeeze %dma_wait3A_168 : memref<1x8x1024xf32, #tpu.memory_space<hbm>> -> memref<8x1024xf32, #tpu.memory_space<hbm>>
    %dma_wait3A_170 = arith.constant 0 : i32
    %dma_wait3A_171 = tpu.memref_slice %arg4[%dma_wait3A_166, %add3A_165, %dma_wait3A_170] : memref<4x256x1024xf32, #tpu.memory_space<hbm>> -> memref<1x8x1024xf32, #tpu.memory_space<hbm>>
    %dma_wait3A_172 = tpu.memref_squeeze %dma_wait3A_171 : memref<1x8x1024xf32, #tpu.memory_space<hbm>> -> memref<8x1024xf32, #tpu.memory_space<hbm>>
    tpu.wait_dma2 semaphore(%arg17 : memref<!tpu.dma_semaphore, #tpu.memory_space<semaphore_mem>>) src(%arg9 : memref<8x1024xf32, #tpu.memory_space<vmem>>) dst(%dma_wait3A_172 : memref<8x1024xf32, #tpu.memory_space<hbm>>)
    %add3A_173 = arith.constant 0 : i32
    %add3A_174 = arith.addi %mul3A_2, %add3A_173 : i32
    %dma_wait3A_175 = arith.constant 3 : i32
    %dma_wait3A_176 = arith.constant 0 : i32
    %dma_wait3A_177 = tpu.memref_slice %arg4[%dma_wait3A_175, %add3A_174, %dma_wait3A_176] : memref<4x256x1024xf32, #tpu.memory_space<hbm>> -> memref<1x8x1024xf32, #tpu.memory_space<hbm>>
    %dma_wait3A_178 = tpu.memref_squeeze %dma_wait3A_177 : memref<1x8x1024xf32, #tpu.memory_space<hbm>> -> memref<8x1024xf32, #tpu.memory_space<hbm>>
    %dma_wait3A_179 = arith.constant 0 : i32
    %dma_wait3A_180 = tpu.memref_slice %arg4[%dma_wait3A_175, %add3A_174, %dma_wait3A_179] : memref<4x256x1024xf32, #tpu.memory_space<hbm>> -> memref<1x8x1024xf32, #tpu.memory_space<hbm>>
    %dma_wait3A_181 = tpu.memref_squeeze %dma_wait3A_180 : memref<1x8x1024xf32, #tpu.memory_space<hbm>> -> memref<8x1024xf32, #tpu.memory_space<hbm>>
    tpu.wait_dma2 semaphore(%arg15 : memref<!tpu.dma_semaphore, #tpu.memory_space<semaphore_mem>>) src(%arg7 : memref<8x1024xf32, #tpu.memory_space<vmem>>) dst(%dma_wait3A_181 : memref<8x1024xf32, #tpu.memory_space<hbm>>)
    return
  }
}

module attributes {stable_mosaic.version = 14 : i64} {
  func.func @_tc_body(%arg0: i32, %arg1: memref<4x512x1024xf32, #tpu.memory_space<vmem>>, %arg2: memref<512x1024xf32, #tpu.memory_space<vmem>>, %arg3: memref<4x512x1024xf32, #tpu.memory_space<vmem>>) attributes {dimension_semantics = [#tpu.dimension_semantics<arbitrary>], iteration_bounds = array<i64: 7>, scalar_prefetch = 0 : i64, scratch_operands = 0 : i64, tpu.core_type = #tpu.core_type<tc>, window_params = [{transform_indices = @transform_0, window_bounds = array<i64: 4, 512, 1024>}, {transform_indices = @transform_1, window_bounds = array<i64: 512, 1024>}, {transform_indices = @transform_2, window_bounds = array<i64: 4, 512, 1024>}]} {
    %get3A = arith.constant 0 : index
    %get3A_0 = arith.constant 0 : index
    %get3A_1 = arith.constant 0 : index
    %get3A_2 = vector.load %arg1[%get3A, %get3A_0, %get3A_1] : memref<4x512x1024xf32, #tpu.memory_space<vmem>>, vector<4x512x1024xf32>
    %get3A_3 = arith.constant 0 : index
    %get3A_4 = arith.constant 0 : index
    %get3A_5 = vector.load %arg2[%get3A_3, %get3A_4] : memref<512x1024xf32, #tpu.memory_space<vmem>>, vector<512x1024xf32>
    %broadcast_in_dim3A = vector.shape_cast %get3A_5 : vector<512x1024xf32> to vector<1x512x1024xf32>
    %add3A = vector.broadcast %broadcast_in_dim3A : vector<1x512x1024xf32> to vector<4x512x1024xf32>
    %add3A_6 = arith.addf %get3A_2, %add3A : vector<4x512x1024xf32>
    %swap3A = arith.constant 0 : index
    %swap3A_7 = arith.constant 0 : index
    %swap3A_8 = arith.constant 0 : index
    %swap3A_9 = vector.load %arg3[%swap3A, %swap3A_7, %swap3A_8] : memref<4x512x1024xf32, #tpu.memory_space<vmem>>, vector<4x512x1024xf32>
    tpu.vector_store %arg3[%swap3A, %swap3A_7, %swap3A_8], %add3A_6 {strides = array<i32>} : memref<4x512x1024xf32, #tpu.memory_space<vmem>>, vector<4x512x1024xf32>,
    return
  }
  func.func @transform_0(%arg0: i32) -> (i32, i32, i32) {
    %c0_i32 = arith.constant 0 : i32
    %c0_i32_0 = arith.constant 0 : i32
    %c0_i32_1 = arith.constant 0 : i32
    return %c0_i32, %arg0, %c0_i32_0 : i32, i32, i32
  }
  func.func @transform_1(%arg0: i32) -> (i32, i32) {
    %c0_i32 = arith.constant 0 : i32
    %c0_i32_0 = arith.constant 0 : i32
    return %arg0, %c0_i32 : i32, i32
  }
  func.func @transform_2(%arg0: i32) -> (i32, i32, i32) {
    %c0_i32 = arith.constant 0 : i32
    %c0_i32_0 = arith.constant 0 : i32
    %c0_i32_1 = arith.constant 0 : i32
    return %c0_i32, %arg0, %c0_i32_0 : i32, i32, i32
  }
}

</mosaic_0001>

<sc_bundles>
// kernel: _hybrid_add.4.cloned.1.call-start
scs
__scs_entry_jumppad:
0x0: {  	(pc) =	sbr.rel $0x88, $3  }
0x1: {  	(tag) =	ssettag $0x0;
	lr =	simm.s32 $0x1  }
0x2: {  	[smem:$0x3F9F] =	sst lr;
	_ =	strace $0xD0000000  }
0x3: {  	_ = 	snop  }
0x4: {  	_ = 	snop  }
0x5: {  	_ = 	snop  }
0x6: {  	_ = 	snop  }
0x7: {  	_ = 	snop  }
__scs_overlays_trampoline_lowered:
0x8: {  	[smem:$0x3FAE] =	sst s0  }
0x9: {  	[smem:$0x3FAF] =	sst s1  }
0xa: {  	[smem:$0x3FB0] =	sst s2  }
0xb: {  	[smem:$0x3FB1] =	sst s3  }
0xc: {  	[smem:$0x3FB2] =	sst s4  }
0xd: {  	[smem:$0x3FB3] =	sst s5  }
0xe: {  	[smem:$0x3FB4] =	sst s6  }
0xf: {  	[smem:$0x3FB5] =	sst s7  }
0x10: {  	[smem:$0x3FB6] =	sst s8  }
0x11: {  	[smem:$0x3FB7] =	sst s9;
	s0 =	simm.s32 @!p0 $0x0  }
0x12: {  	s1 =	sld [smem:$0x3F9D];
	s0 =	simm.s32 @p0 $0x1  }
0x13: {  	[smem:$0x3FB8] =	sst s0;
	s0 =	simm.s32 @!p1 $0x0  }
0x14: {  	s2 =	sld [smem:$0x3F9C];
	s0 =	simm.s32 @p1 $0x1  }
0x15: {  	[smem:$0x3FB9] =	sst s0;
	s0 =	simm.s32 @!p2 $0x0  }
0x16: {  	s3 =	sld [smem:$0x3FDB];
	s0 =	simm.s32 @p2 $0x1  }
0x17: {  	s4 =	simm.s32 $0x1BF5;
	[smem:$0x3FBB] =	sst s0  }
0x18: {  	s0 =	sld [smem:$0x3F9E];
	_ =	swait.ge [sflag:s4], $0x0  }
0x19: {  	s7 =	sld [smem:$0x3F9F]  }
0x1a: {  	s8 =	sadd.s32 $0xFFFFE003, lr  }
0x1b: {  	s9 =	sadd.s32 $0xFFFFFEF7, lr;
	s5 =	simm.s32 $0xFFFFFFFF;
	p2 =	slt.u32 s8, $0xFFFFF086  }
0x1c: {  	p1 =	slt.u32 s9, $0xF7A;
	s5 =	simm.s32 @!p2 $0x0  }
0x1d: {  	s5 =	simm.s32 @p1 $0x1;
	p0 =	seq.s32 s7, s2  }
0x1e: {  	s7 =	smul.u32 @!p0 $0xF7A, s2;
	p2 =	seq.s32 @!p0 s5, $0x0  }
0x1f: {  	s9 =	smul.u32 $0xF7A, s1;
	s8 =	simm.s32 @!p0 $0x1BF5;
	p2 =	por !p2, p0  }
0x20: {  	[sflag:s8] =	ssyncset.s32 @!p0 $0xFFFFF086;
	s6 =	sadd.s32 @!p0 s3, s7;
	s7 =	simm.s32 @!p0 $0x108  }
0x21: {  	s3 =	sadd.s32 s3, s9;
	s6 =	sadd.s32 @!p0 $0x88, s6;
	s7 =	simm.s32 @p2 $0x1082  }
0x22: {  	[simem:s7], [sflag:s8] =	dma.local @!p0 [hbm:s6], $0xF7A  }
0x23: {  	s9 =	sor.u32 $0xD0000000, s2;
	s6 =	simm.s32 $0x108;
	_ =	swait.ge @!p0 [sflag:s8], $0x0  }
0x24: {  	s3 =	sadd.s32 $0x88, s3;
	s6 =	simm.s32 @!p1 $0x1082;
	[sflag:s4] =	ssyncset.s32 $0xFFFFF086  }
0x25: {  	[simem:s6], [sflag:s4] =	dma.local [hbm:s3], $0xF7A  }
0x26: {  	[smem:$0x3F9F] =	sst s1;
	(tag) =	ssettag s2;
	_ =	strace s9  }
0x27: {  	s1 =	sld [smem:$0x3FAF]  }
0x28: {  	s2 =	sld [smem:$0x3FB0]  }
0x29: {  	s4 =	sld [smem:$0x3FB2]  }
0x2a: {  	p0 =	seq.s32 s5, $0x0;
	s5 =	sld [smem:$0x3FB3]  }
0x2b: {  	s6 =	sld [smem:$0x3FB4]  }
0x2c: {  	s7 =	sld [smem:$0x3FB5]  }
0x2d: {  	s3 =	simm.s32 $0x108;
	s8 =	sld [smem:$0x3FB6]  }
0x2e: {  	s3 =	simm.s32 @!p0 $0x1082;
	s9 =	sld [smem:$0x3FB7]  }
0x2f: {  	lr =	sadd.s32 s0, s3;
	s0 =	sld [smem:$0x3FAE]  }
0x30: {  	s3 =	sld [smem:$0x3FB1]  }
0x31: {  	[smem:$0x3FBA] =	sst s10  }
0x32: {  	s10 =	sld [smem:$0x3FB8];
	_ =	sdelay $0x3  }
0x33: {  	p0 =	seq.s32 s10, $0x1;
	s10 =	sld [smem:$0x3FBA];
	_ =	sdelay $0x3  }
0x34: {  	[smem:$0x3FBA] =	sst s10  }
0x35: {  	s10 =	sld [smem:$0x3FB9];
	_ =	sdelay $0x3  }
0x36: {  	p1 =	seq.s32 s10, $0x1;
	s10 =	sld [smem:$0x3FBA];
	_ =	sdelay $0x3  }
0x37: {  	[smem:$0x3FBA] =	sst s10  }
0x38: {  	s10 =	sld [smem:$0x3FBB]  }
0x39: {  	_ = 	snop;
	(pc) =	sbr.ind lr, $3  }
0x3a: {  	_ = 	snop  }
0x3b: {  	_ = 	snop  }
0x3c: {  	p2 =	seq.s32 s10, $0x1;
	s10 =	sld [smem:$0x3FBA]  }
0x3d: {  	_ =	shalt  }
0x3e: {  	_ =	shalt  }
0x3f: {  	_ =	shalt  }
0x40: {  	_ =	shalt  }
0x41: {  	_ =	shalt  }
0x42: {  	_ =	shalt  }
0x43: {  	_ =	shalt  }
0x44: {  	_ =	shalt  }
0x45: {  	_ =	shalt  }
0x46: {  	_ =	shalt  }
0x47: {  	_ =	shalt  }
0x48: {  	_ =	shalt  }
0x49: {  	_ =	shalt  }
0x4a: {  	_ =	shalt  }
0x4b: {  	_ =	shalt  }
0x4c: {  	_ =	shalt  }
0x4d: {  	_ =	shalt  }
0x4e: {  	_ =	shalt  }
0x4f: {  	_ =	shalt  }
0x50: {  	_ =	shalt  }
0x51: {  	_ =	shalt  }
0x52: {  	_ =	shalt  }
0x53: {  	_ =	shalt  }
0x54: {  	_ =	shalt  }
0x55: {  	_ =	shalt  }
0x56: {  	_ =	shalt  }
0x57: {  	_ =	shalt  }
0x58: {  	_ =	shalt  }
0x59: {  	_ =	shalt  }
0x5a: {  	_ =	shalt  }
0x5b: {  	_ =	shalt  }
0x5c: {  	_ =	shalt  }
0x5d: {  	_ =	shalt  }
0x5e: {  	_ =	shalt  }
0x5f: {  	_ =	shalt  }
0x60: {  	_ =	shalt  }
0x61: {  	_ =	shalt  }
0x62: {  	_ =	shalt  }
0x63: {  	_ =	shalt  }
0x64: {  	_ =	shalt  }
0x65: {  	_ =	shalt  }
0x66: {  	_ =	shalt  }
0x67: {  	_ =	shalt  }
0x68: {  	_ =	shalt  }
0x69: {  	_ =	shalt  }
0x6a: {  	_ =	shalt  }
0x6b: {  	_ =	shalt  }
0x6c: {  	_ =	shalt  }
0x6d: {  	_ =	shalt  }
0x6e: {  	_ =	shalt  }
0x6f: {  	_ =	shalt  }
0x70: {  	_ =	shalt  }
0x71: {  	_ =	shalt  }
0x72: {  	_ =	shalt  }
0x73: {  	_ =	shalt  }
0x74: {  	_ =	shalt  }
0x75: {  	_ =	shalt  }
0x76: {  	_ =	shalt  }
0x77: {  	_ =	shalt  }
0x78: {  	_ =	shalt  }
0x79: {  	_ =	shalt  }
0x7a: {  	_ =	shalt  }
0x7b: {  	_ =	shalt  }
0x7c: {  	_ =	shalt  }
0x7d: {  	_ =	shalt  }
0x7e: {  	_ =	shalt  }
0x7f: {  	_ =	shalt  }
0x80: {  	_ =	shalt  }
0x81: {  	_ =	shalt  }
0x82: {  	_ =	shalt  }
0x83: {  	_ =	shalt  }
0x84: {  	_ =	shalt  }
0x85: {  	_ =	shalt  }
0x86: {  	_ =	shalt  }
0x87: {  	_ =	shalt  }
.Lfunc_end0:
.L_simem_size_0:
called_computation_lowered:
.L_overlay_start_0:
0x88: {  	s2 =	sld [smem:$0x3FD9]  }
0x89: {  	s3 =	sld [smem:$0x3FFE];
	_ =	sdelay $0x1  }
0x8a: {  	s1 =	srdreg.scid  }
0x8b: {  	s0 =	sand.u32 $0x1, s1  }
0x8c: {  	s17 =	sshll.u32 s0, $0xA;
	s2 =	sadd.s32 s3, s2  }
0x8d: {  	s2 =	sadd.s32 s2, s17  }
0x8e: {  	[smem:$0x3FC6] =	sst s2  }
0x8f: {  	_ = 	snop  }
0x90: {  	s2 =	sld [smem:$0x3FC9]  }
0x91: {  	s18 =	sld [smem:$0x3FC8];
	(tm) =	ssettm $0x1  }
0x92: {  	s4 =	sld [smem:$0x3FFB];
	_ =	sdelay $0x3  }
0x93: {  	_ =	strace s4  }
0x94: {  	s4 =	sld [smem:$0x3FFC];
	_ =	sdelay $0x3  }
0x95: {  	_ =	strace s4  }
0x96: {  	s4 =	sld [smem:$0x3FFD];
	_ =	sdelay $0x3  }
0x97: {  	_ =	strace s4  }
0x98: {  	_ =	strace $0x8FFFFFFF  }
0x99: {  	s19 =	sld [smem:$0x3FDB];
	_ =	sdelay $0x1  }
0x9a: {  	s5 =	simm.s32 $_scs_section_size  }
0x9b: {  	s6 =	simm.s32 $_size__tile_overlayer_lowered;
	s7 =	simm.s32 $_tile_overlayer_lowered  }
0x9c: {  	s22 =	simm.s32 $0x1BFF;
	s21 =	sshll.u32 s7, $0x1;
	s4 =	sadd.s32 s5, s19  }
0x9d: {  	s8 =	simm.s32 $0x0;
	s20 =	sshll.u32 s6, $0x1;
	s6 =	sadd.s32 s21, s4  }
0x9e: {  	[timem:s8], [sflag:s22] =	dma.local [hbm:s6], s20  }
0x9f: {  	_ =	swait.ge [sflag:s22], s20  }
0xa0: {  	s5 =	ssub.s32 $0x0, s20;
	[sflag:s22] =	ssyncset.done $0x0  }
0xa1: {  	[sflag:s22] =	ssyncadd.s32 s5;
	_ =	sdelay $0x1  }
0xa2: {  	s23 =	simm.s32 $0x1B8B  }
0xa3: {  	_ =	swait.ge [sflag:s23], $0x1  }
0xa4: {  	[sflag:s23] =	ssyncset.done $0x0  }
0xa5: {  	s25 =	simm.s32 $0x1B8E;
	s24 =	sld [smem:$0x3FFE];
	[sflag:s23] =	ssyncadd.s32 $0xFFFFFFFF  }
0xa6: {  	s26 =	simm.s32 $execute0_lowered;
	[smem:$0x3FD2] =	sst s25  }
0xa7: {  	s6 =	sshll.u32 s26, $0x1;
	_ =	strace $0x80000046;
	[dreg:$0x1] =	wrdreg $0xFFFFFFFF  }
0xa8: {  	s28 =	simm.s32 $_size_execute0_lowered;
	s4 =	sadd.s32 s4, s6;
	[dreg:$0x0] =	wrdreg $0x0  }
0xa9: {  	s6 =	sshll.u32 s28, $0x1;
	[dreg:$0x2] =	wrdreg s4  }
0xaa: {  	[dreg:$0x3] =	wrdreg s6  }
0xab: {  	[dreg:$0x4] =	wrdreg $0xC0  }
0xac: {  	_ =	task [dreg:s8], $0x5FFFF  }
0xad: {  	[dreg:$0x1] =	wrdreg $0xFFFFFFFF  }
0xae: {  	[dreg:$0x0] =	wrdreg $0x60  }
0xaf: {  	[dreg:$0x2] =	wrdreg s2  }
0xb0: {  	[dreg:$0x3] =	wrdreg s18  }
0xb1: {  	[dreg:$0x4] =	wrdreg s24  }
0xb2: {  	[dreg:$0x5] =	wrdreg $0x9  }
0xb3: {  	_ =	task.clear_ibuf [dreg:s8], $0x6FFFF;
	_ =	strace $0x90000046  }
0xb4: {  	s29 =	simm.s32 $0x9;
	_ =	strace $0x80000048  }
0xb5: {  	_ =	swait.ge [sflag:s29], $0x1  }
0xb6: {  	[sflag:s29] =	ssyncadd.s32 $0xFFFFFFFF  }
0xb7: {  	_ =	strace $0x90000048  }
0xb8: {  	_ =	sfence  }
0xb9: {  	s30 =	sld [smem:$0x0];
	_ =	sdelay $0x2  }
0xba: {  	s31 =	sshll.u32 s1, $0xD;
	s1 =	sshrl.u32 s1, $0x2  }
0xbb: {  	s3 =	sand.u32 $0x4000, s31;
	s1 =	sadd.s32 s1, s30  }
0xbc: {  	s0 =	sor.u32 s3, s0;
	s1 =	sshll.u32 s1, $0x11  }
0xbd: {  	s0 =	sor.u32 s1, s0  }
0xbe: {  	s0 =	sadd.s32 $0x8F2B, s0  }
0xbf: {  	[sflag:s0] =	ssyncadd.remote.s32 $0x1  }
0xc0: {  	_ =	sfence.sel $0xFFFF  }
0xc1: {  	[dreg:$0x0] =	wrdreg $0xFFFFFFFF;
	(pc) =	sbr.abs _section_cstart, $3  }
0xc2: {  	[dreg:$0x1] =	wrdreg $0xFFFFFFFF  }
0xc3: {  	_ =	task.clear_ibuf [dreg:s8], $0x2FFFF;
	_ =	strace $0x9FFFFFFF  }
0xc4: {  	(tm) =	ssettm $0x7FFFFFFF  }
0xc5: {  	_ =	shalt  }
tec
execute0_lowered:
.L_overlay_start_1:
0x0: {  	(tag) =	ssettag $0x1  }
0x1: {  	s4 =	rddreg [dreg:$0x0]  }
0x2: {  	s3 =	rddreg [dreg:$0x1]  }
0x3: {  	s5 =	rddreg [dreg:$0x2];
	s2 =	srdreg.scid  }
0x4: {  	s0 =	rddreg [dreg:$0x3];
	s1 =	stileid.u32;
	s13 =	simm.s32 $0x4000  }
0x5: {  	s14 =	simm.s32 $0x1;
	s15 =	simm.s32 $0x2;
	s16 =	simm.s32 $0x2000  }
0x6: {  	s17 =	simm.s32 $0x6000;
	s18 =	simm.s32 $0x3;
	s19 =	simm.s32 $0x5  }
0x7: {  	s20 =	simm.s32 $0x4;
	s21 =	simm.s32 $0x6;
	s22 =	simm.s32 $0x7  }
0x8: {  	s23 =	simm.s32 $0x0;
	s6 =	sand.u32 $0x1, s2;
	s2 =	simm.s32 $0x0  }
0x9: {  	s7 =	sshll.u32 s1, $0xB;
	s8 =	sshll.u32 s6, $0xA;
	[smem:$0x7FF] =	sst s2  }
0xa: {  	s6 =	ssub.s32 $0x2, s6;
	s7 =	sor.u32 s8, s7;
	_ =	strace $0x80000047  }
0xb: {  	s30 =	sshrl.u32 s6, $0x1;
	s11 =	sadd.s32 s7, s5;
	s31 =	sor.u32 $0x78000, s7  }
0xc: {  	s12 =	ssub.s32 s6, s30;
	s9 =	sadd.s32 s7, s4;
	s3 =	sadd.s32 s3, s31  }
0xd: {  	s4 =	sadd.s32 s4, s31;
	s5 =	sadd.s32 $0xF8000, s9;
	s6 =	sadd.s32 $0x600, s11  }
0xe: {  	s7 =	sadd.s32 $0x178000, s9;
	s8 =	sadd.s32 $0x8600, s11;
	s9 =	sadd.s32 $0x1F8000, s9  }
0xf: {  	s10 =	sadd.s32 $0x10600, s11;
	s11 =	sadd.s32 $0x18600, s11;
	s12 =	smax.u32 s12, $0x1  }
.LBB2_1:
0x10: {  	[tilespmem:s2], [sflag:$0x1] =	stream.linear.gather [hbm4b:s3+s2], $0x2000, $0x38;
	[tilespmem:$0x8000] =	vst v63  }
0x11: {  	_ = 	snop  }
0x12: {  	[tilespmem:s16], [sflag:$0x2] =	stream.linear.gather [hbm4b:s4+s2], $0x2000, $0x38;
	[tilespmem:$0x8000] =	vst v63  }
0x13: {  	_ = 	snop  }
0x14: {  	[tilespmem:s13], [sflag:$0x3] =	stream.linear.gather [hbm4b:s5+s2], $0x2000, $0x38;
	[tilespmem:$0x8000] =	vst v63  }
0x15: {  	_ =	swait.ge [sflag:s14], $0x2000  }
0x16: {  	[sflag:s14] =	ssyncset.done $0x0  }
0x17: {  	[sflag:s14] =	ssyncadd.s32 $0xFFFFE000  }
0x18: {  	_ =	swait.ge [sflag:s15], $0x2000  }
0x19: {  	s24 =	simm.s32 $0x40;
	[sflag:s15] =	ssyncset.done $0x0  }
0x1a: {  	s25 =	simm.s32 $0x2000;
	s26 =	simm.s32 $0x0;
	[sflag:s15] =	ssyncadd.s32 $0xFFFFE000  }
.LBB2_2:
0x1b: {  	v0 =	vmov s24;
	_ =	sdelay $0x3  }
0x1c: {  	s28 =	simm.s32 $0x0;
	s29 =	simm.s32 $0x1000  }
.LBB2_3:
0x1d: {  	p0 =	sne.s32 s29, $0x7000;
	v1 =	vld.idx.msk [tilespmem:v0+s28+$0xFFFFFFC0 ss:$0x1], $0xffff;
	_ =	sdelay $0x4  }
0x1e: {  	s30 =	sadd.s32 s28, s25  }
0x1f: {  	[tilespmem:s30+$0x0] =	vst.add.f32.msk $0xffff, v1  }
0x20: {  	v1 =	vld.idx.msk [tilespmem:v0+s28+$0xFFFFFFD0 ss:$0x1], $0xffff;
	_ =	sdelay $0x5  }
0x21: {  	[tilespmem:s30+$0x10] =	vst.add.f32.msk $0xffff, v1  }
0x22: {  	v1 =	vld.idx.msk [tilespmem:v0+s28+$0xFFFFFFE0 ss:$0x1], $0xffff;
	_ =	sdelay $0x5  }
0x23: {  	[tilespmem:s30+$0x20] =	vst.add.f32.msk $0xffff, v1  }
0x24: {  	v1 =	vld.idx.msk [tilespmem:v0+s28+$0xFFFFFFF0 ss:$0x1], $0xffff;
	_ =	sdelay $0x5  }
0x25: {  	[tilespmem:s30+$0x30] =	vst.add.f32.msk $0xffff, v1  }
0x26: {  	v1 =	vld.idx.msk [tilespmem:v0+s28+$0x0 ss:$0x1], $0xffff;
	_ =	sdelay $0x5  }
0x27: {  	[tilespmem:s30+$0x40] =	vst.add.f32.msk $0xffff, v1  }
0x28: {  	v1 =	vld.idx.msk [tilespmem:v0+s28+$0x10 ss:$0x1], $0xffff;
	_ =	sdelay $0x5  }
0x29: {  	[tilespmem:s30+$0x50] =	vst.add.f32.msk $0xffff, v1  }
0x2a: {  	v1 =	vld.idx.msk [tilespmem:v0+s28+$0x20 ss:$0x1], $0xffff;
	_ =	sdelay $0x5  }
0x2b: {  	[tilespmem:s30+$0x60] =	vst.add.f32.msk $0xffff, v1  }
0x2c: {  	v1 =	vld.idx.msk [tilespmem:v0+s28+$0x30 ss:$0x1], $0xffff;
	_ =	sdelay $0x1  }
.Ltmp0:
0x2d: {  	(pc) =	sbr.rel @p0 .LBB2_3-.Ltmp0, $2  }
0x2e: {  	_ =	sdelay $0x2  }
0x2f: {  	s28 =	sshra.s32 s29, $0x2;
	s29 =	sadd.s32 $0x1000, s29;
	[tilespmem:s30+$0x70] =	vst.add.f32.msk $0xffff, v1  }
0x30: {  	_ =	sdelay $0x3  }
0x31: {  	v1 =	vld.idx.msk [tilespmem:v0+s28+$0xFFFFFFC0 ss:$0x1], $0xffff;
	_ =	sdelay $0x3  }
0x32: {  	s29 =	sadd.s32 s28, s25  }
0x33: {  	[tilespmem:s29+$0x0] =	vst.add.f32.msk $0xffff, v1  }
0x34: {  	v1 =	vld.idx.msk [tilespmem:v0+s28+$0xFFFFFFD0 ss:$0x1], $0xffff;
	_ =	sdelay $0x4  }
0x35: {  	[tilespmem:s29+$0x10] =	vst.add.f32.msk $0xffff, v1  }
0x36: {  	v1 =	vld.idx.msk [tilespmem:v0+s28+$0xFFFFFFE0 ss:$0x1], $0xffff;
	_ =	sdelay $0x4  }
0x37: {  	[tilespmem:s29+$0x20] =	vst.add.f32.msk $0xffff, v1  }
0x38: {  	v1 =	vld.idx.msk [tilespmem:v0+s28+$0xFFFFFFF0 ss:$0x1], $0xffff;
	_ =	sdelay $0x4  }
0x39: {  	[tilespmem:s29+$0x30] =	vst.add.f32.msk $0xffff, v1  }
0x3a: {  	v1 =	vld.idx.msk [tilespmem:v0+s28+$0x0 ss:$0x1], $0xffff;
	_ =	sdelay $0x4  }
0x3b: {  	[tilespmem:s29+$0x40] =	vst.add.f32.msk $0xffff, v1  }
0x3c: {  	v1 =	vld.idx.msk [tilespmem:v0+s28+$0x10 ss:$0x1], $0xffff;
	_ =	sdelay $0x4  }
0x3d: {  	[tilespmem:s29+$0x50] =	vst.add.f32.msk $0xffff, v1  }
0x3e: {  	v1 =	vld.idx.msk [tilespmem:v0+s28+$0x20 ss:$0x1], $0xffff;
	_ =	sdelay $0x4  }
0x3f: {  	s26 =	sadd.s32 $0x1, s26;
	[tilespmem:s29+$0x60] =	vst.add.f32.msk $0xffff, v1  }
0x40: {  	p0 =	sne.s32 s26, $0x8;
	v63 =	vld.idx.msk [tilespmem:v0+s28+$0x30 ss:$0x1], $0xffff  }
.Ltmp1:
0x41: {  	_ = 	snop;
	(pc) =	sbr.rel @p0 .LBB2_2-.Ltmp1, $2  }
0x42: {  	_ =	sdelay $0x2  }
0x43: {  	s25 =	sadd.s32 $0x80, s25;
	s24 =	sadd.s32 $0x80, s24;
	[tilespmem:s29+$0x70] =	vst.add.f32.msk $0xffff, v63  }
0x44: {  	s24 =	simm.s32 $0x0  }
0x45: {  	[hbm4b:s6+s24] =	stream.linear.scatter [tilespmem:s16], [sflag:$0x5], $0x2000, $0x38;
	[tilespmem:$0x8000] =	vst v63  }
0x46: {  	_ = 	snop  }
0x47: {  	[tilespmem:s17], [sflag:$0x4] =	stream.linear.gather [hbm4b:s7+s24], $0x2000, $0x38;
	[tilespmem:$0x8000] =	vst v63  }
0x48: {  	_ =	swait.ge [sflag:s18], $0x2000  }
0x49: {  	[sflag:s18] =	ssyncset.done $0x0  }
0x4a: {  	s25 =	simm.s32 $0x4000;
	s26 =	simm.s32 $0x40;
	[sflag:s18] =	ssyncadd.s32 $0xFFFFE000  }
.LBB2_6:
0x4b: {  	v0 =	vmov s26;
	_ =	sdelay $0x3  }
0x4c: {  	s28 =	simm.s32 $0x0;
	s29 =	simm.s32 $0x1000  }
.LBB2_7:
0x4d: {  	p0 =	sne.s32 s29, $0x7000;
	v1 =	vld.idx.msk [tilespmem:v0+s28+$0xFFFFFFC0 ss:$0x1], $0xffff;
	_ =	sdelay $0x4  }
0x4e: {  	s30 =	sadd.s32 s28, s25  }
0x4f: {  	[tilespmem:s30+$0x0] =	vst.add.f32.msk $0xffff, v1  }
0x50: {  	v1 =	vld.idx.msk [tilespmem:v0+s28+$0xFFFFFFD0 ss:$0x1], $0xffff;
	_ =	sdelay $0x5  }
0x51: {  	[tilespmem:s30+$0x10] =	vst.add.f32.msk $0xffff, v1  }
0x52: {  	v1 =	vld.idx.msk [tilespmem:v0+s28+$0xFFFFFFE0 ss:$0x1], $0xffff;
	_ =	sdelay $0x5  }
0x53: {  	[tilespmem:s30+$0x20] =	vst.add.f32.msk $0xffff, v1  }
0x54: {  	v1 =	vld.idx.msk [tilespmem:v0+s28+$0xFFFFFFF0 ss:$0x1], $0xffff;
	_ =	sdelay $0x5  }
0x55: {  	[tilespmem:s30+$0x30] =	vst.add.f32.msk $0xffff, v1  }
0x56: {  	v1 =	vld.idx.msk [tilespmem:v0+s28+$0x0 ss:$0x1], $0xffff;
	_ =	sdelay $0x5  }
0x57: {  	[tilespmem:s30+$0x40] =	vst.add.f32.msk $0xffff, v1  }
0x58: {  	v1 =	vld.idx.msk [tilespmem:v0+s28+$0x10 ss:$0x1], $0xffff;
	_ =	sdelay $0x5  }
0x59: {  	[tilespmem:s30+$0x50] =	vst.add.f32.msk $0xffff, v1  }
0x5a: {  	v1 =	vld.idx.msk [tilespmem:v0+s28+$0x20 ss:$0x1], $0xffff;
	_ =	sdelay $0x5  }
0x5b: {  	[tilespmem:s30+$0x60] =	vst.add.f32.msk $0xffff, v1  }
0x5c: {  	v1 =	vld.idx.msk [tilespmem:v0+s28+$0x30 ss:$0x1], $0xffff;
	_ =	sdelay $0x1  }
.Ltmp2:
0x5d: {  	(pc) =	sbr.rel @p0 .LBB2_7-.Ltmp2, $2  }
0x5e: {  	_ =	sdelay $0x2  }
0x5f: {  	s28 =	sshra.s32 s29, $0x2;
	s29 =	sadd.s32 $0x1000, s29;
	[tilespmem:s30+$0x70] =	vst.add.f32.msk $0xffff, v1  }
0x60: {  	_ =	sdelay $0x3  }
0x61: {  	v1 =	vld.idx.msk [tilespmem:v0+s28+$0xFFFFFFC0 ss:$0x1], $0xffff;
	_ =	sdelay $0x3  }
0x62: {  	s29 =	sadd.s32 s28, s25  }
0x63: {  	[tilespmem:s29+$0x0] =	vst.add.f32.msk $0xffff, v1  }
0x64: {  	v1 =	vld.idx.msk [tilespmem:v0+s28+$0xFFFFFFD0 ss:$0x1], $0xffff;
	_ =	sdelay $0x4  }
0x65: {  	[tilespmem:s29+$0x10] =	vst.add.f32.msk $0xffff, v1  }
0x66: {  	v1 =	vld.idx.msk [tilespmem:v0+s28+$0xFFFFFFE0 ss:$0x1], $0xffff;
	_ =	sdelay $0x4  }
0x67: {  	[tilespmem:s29+$0x20] =	vst.add.f32.msk $0xffff, v1  }
0x68: {  	v1 =	vld.idx.msk [tilespmem:v0+s28+$0xFFFFFFF0 ss:$0x1], $0xffff;
	_ =	sdelay $0x4  }
0x69: {  	[tilespmem:s29+$0x30] =	vst.add.f32.msk $0xffff, v1  }
0x6a: {  	v1 =	vld.idx.msk [tilespmem:v0+s28+$0x0 ss:$0x1], $0xffff;
	_ =	sdelay $0x4  }
0x6b: {  	[tilespmem:s29+$0x40] =	vst.add.f32.msk $0xffff, v1  }
0x6c: {  	v1 =	vld.idx.msk [tilespmem:v0+s28+$0x10 ss:$0x1], $0xffff;
	_ =	sdelay $0x4  }
0x6d: {  	[tilespmem:s29+$0x50] =	vst.add.f32.msk $0xffff, v1  }
0x6e: {  	v1 =	vld.idx.msk [tilespmem:v0+s28+$0x20 ss:$0x1], $0xffff;
	_ =	sdelay $0x4  }
0x6f: {  	s24 =	sadd.s32 $0x1, s24;
	[tilespmem:s29+$0x60] =	vst.add.f32.msk $0xffff, v1  }
0x70: {  	p0 =	sne.s32 s24, $0x8;
	v63 =	vld.idx.msk [tilespmem:v0+s28+$0x30 ss:$0x1], $0xffff  }
.Ltmp3:
0x71: {  	_ = 	snop;
	(pc) =	sbr.rel @p0 .LBB2_6-.Ltmp3, $2  }
0x72: {  	_ =	sdelay $0x2  }
0x73: {  	s25 =	sadd.s32 $0x80, s25;
	s26 =	sadd.s32 $0x80, s26;
	[tilespmem:s29+$0x70] =	vst.add.f32.msk $0xffff, v63  }
0x74: {  	s24 =	simm.s32 $0x0  }
0x75: {  	[hbm4b:s8+s24] =	stream.linear.scatter [tilespmem:s13], [sflag:$0x6], $0x2000, $0x38;
	[tilespmem:$0x8000] =	vst v63  }
0x76: {  	_ =	swait.ge [sflag:s19], $0x2000  }
0x77: {  	[sflag:s19] =	ssyncset.done $0x0  }
0x78: {  	[sflag:s19] =	ssyncadd.s32 $0xFFFFE000  }
0x79: {  	[tilespmem:s16], [sflag:$0x2] =	stream.linear.gather [hbm4b:s9+s24], $0x2000, $0x38;
	[tilespmem:$0x8000] =	vst v63  }
0x7a: {  	_ =	swait.ge [sflag:s20], $0x2000  }
0x7b: {  	[sflag:s20] =	ssyncset.done $0x0  }
0x7c: {  	s25 =	simm.s32 $0x6000;
	s26 =	simm.s32 $0x40;
	[sflag:s20] =	ssyncadd.s32 $0xFFFFE000  }
.LBB2_10:
0x7d: {  	v0 =	vmov s26;
	_ =	sdelay $0x3  }
0x7e: {  	s28 =	simm.s32 $0x0;
	s29 =	simm.s32 $0x1000  }
.LBB2_11:
0x7f: {  	p0 =	sne.s32 s29, $0x7000;
	v1 =	vld.idx.msk [tilespmem:v0+s28+$0xFFFFFFC0 ss:$0x1], $0xffff;
	_ =	sdelay $0x4  }
0x80: {  	s30 =	sadd.s32 s28, s25  }
0x81: {  	[tilespmem:s30+$0x0] =	vst.add.f32.msk $0xffff, v1  }
0x82: {  	v1 =	vld.idx.msk [tilespmem:v0+s28+$0xFFFFFFD0 ss:$0x1], $0xffff;
	_ =	sdelay $0x5  }
0x83: {  	[tilespmem:s30+$0x10] =	vst.add.f32.msk $0xffff, v1  }
0x84: {  	v1 =	vld.idx.msk [tilespmem:v0+s28+$0xFFFFFFE0 ss:$0x1], $0xffff;
	_ =	sdelay $0x5  }
0x85: {  	[tilespmem:s30+$0x20] =	vst.add.f32.msk $0xffff, v1  }
0x86: {  	v1 =	vld.idx.msk [tilespmem:v0+s28+$0xFFFFFFF0 ss:$0x1], $0xffff;
	_ =	sdelay $0x5  }
0x87: {  	[tilespmem:s30+$0x30] =	vst.add.f32.msk $0xffff, v1  }
0x88: {  	v1 =	vld.idx.msk [tilespmem:v0+s28+$0x0 ss:$0x1], $0xffff;
	_ =	sdelay $0x5  }
0x89: {  	[tilespmem:s30+$0x40] =	vst.add.f32.msk $0xffff, v1  }
0x8a: {  	v1 =	vld.idx.msk [tilespmem:v0+s28+$0x10 ss:$0x1], $0xffff;
	_ =	sdelay $0x5  }
0x8b: {  	[tilespmem:s30+$0x50] =	vst.add.f32.msk $0xffff, v1  }
0x8c: {  	v1 =	vld.idx.msk [tilespmem:v0+s28+$0x20 ss:$0x1], $0xffff;
	_ =	sdelay $0x5  }
0x8d: {  	[tilespmem:s30+$0x60] =	vst.add.f32.msk $0xffff, v1  }
0x8e: {  	v1 =	vld.idx.msk [tilespmem:v0+s28+$0x30 ss:$0x1], $0xffff;
	_ =	sdelay $0x1  }
.Ltmp4:
0x8f: {  	(pc) =	sbr.rel @p0 .LBB2_11-.Ltmp4, $2  }
0x90: {  	_ =	sdelay $0x2  }
0x91: {  	s28 =	sshra.s32 s29, $0x2;
	s29 =	sadd.s32 $0x1000, s29;
	[tilespmem:s30+$0x70] =	vst.add.f32.msk $0xffff, v1  }
0x92: {  	_ =	sdelay $0x3  }
0x93: {  	v1 =	vld.idx.msk [tilespmem:v0+s28+$0xFFFFFFC0 ss:$0x1], $0xffff;
	_ =	sdelay $0x3  }
0x94: {  	s29 =	sadd.s32 s28, s25  }
0x95: {  	[tilespmem:s29+$0x0] =	vst.add.f32.msk $0xffff, v1  }
0x96: {  	v1 =	vld.idx.msk [tilespmem:v0+s28+$0xFFFFFFD0 ss:$0x1], $0xffff;
	_ =	sdelay $0x4  }
0x97: {  	[tilespmem:s29+$0x10] =	vst.add.f32.msk $0xffff, v1  }
0x98: {  	v1 =	vld.idx.msk [tilespmem:v0+s28+$0xFFFFFFE0 ss:$0x1], $0xffff;
	_ =	sdelay $0x4  }
0x99: {  	[tilespmem:s29+$0x20] =	vst.add.f32.msk $0xffff, v1  }
0x9a: {  	v1 =	vld.idx.msk [tilespmem:v0+s28+$0xFFFFFFF0 ss:$0x1], $0xffff;
	_ =	sdelay $0x4  }
0x9b: {  	[tilespmem:s29+$0x30] =	vst.add.f32.msk $0xffff, v1  }
0x9c: {  	v1 =	vld.idx.msk [tilespmem:v0+s28+$0x0 ss:$0x1], $0xffff;
	_ =	sdelay $0x4  }
0x9d: {  	[tilespmem:s29+$0x40] =	vst.add.f32.msk $0xffff, v1  }
0x9e: {  	v1 =	vld.idx.msk [tilespmem:v0+s28+$0x10 ss:$0x1], $0xffff;
	_ =	sdelay $0x4  }
0x9f: {  	[tilespmem:s29+$0x50] =	vst.add.f32.msk $0xffff, v1  }
0xa0: {  	v1 =	vld.idx.msk [tilespmem:v0+s28+$0x20 ss:$0x1], $0xffff;
	_ =	sdelay $0x4  }
0xa1: {  	s24 =	sadd.s32 $0x1, s24;
	[tilespmem:s29+$0x60] =	vst.add.f32.msk $0xffff, v1  }
0xa2: {  	p0 =	sne.s32 s24, $0x8;
	v63 =	vld.idx.msk [tilespmem:v0+s28+$0x30 ss:$0x1], $0xffff  }
.Ltmp5:
0xa3: {  	_ = 	snop;
	(pc) =	sbr.rel @p0 .LBB2_10-.Ltmp5, $2  }
0xa4: {  	_ =	sdelay $0x2  }
0xa5: {  	s25 =	sadd.s32 $0x80, s25;
	s26 =	sadd.s32 $0x80, s26;
	[tilespmem:s29+$0x70] =	vst.add.f32.msk $0xffff, v63  }
0xa6: {  	s24 =	simm.s32 $0x0  }
0xa7: {  	[hbm4b:s10+s24] =	stream.linear.scatter [tilespmem:s17], [sflag:$0x7], $0x2000, $0x38;
	[tilespmem:$0x8000] =	vst v63  }
0xa8: {  	_ =	swait.ge [sflag:s15], $0x2000  }
0xa9: {  	[sflag:s15] =	ssyncset.done $0x0  }
0xaa: {  	s25 =	simm.s32 $0x2000;
	s26 =	simm.s32 $0x40;
	[sflag:s15] =	ssyncadd.s32 $0xFFFFE000  }
.LBB2_14:
0xab: {  	v0 =	vmov s26;
	_ =	sdelay $0x3  }
0xac: {  	s28 =	simm.s32 $0x0;
	s29 =	simm.s32 $0x1000  }
.LBB2_15:
0xad: {  	p0 =	sne.s32 s29, $0x7000;
	v1 =	vld.idx.msk [tilespmem:v0+s28+$0xFFFFFFC0 ss:$0x1], $0xffff;
	_ =	sdelay $0x4  }
0xae: {  	s30 =	sadd.s32 s28, s25  }
0xaf: {  	[tilespmem:s30+$0x0] =	vst.add.f32.msk $0xffff, v1  }
0xb0: {  	v1 =	vld.idx.msk [tilespmem:v0+s28+$0xFFFFFFD0 ss:$0x1], $0xffff;
	_ =	sdelay $0x5  }
0xb1: {  	[tilespmem:s30+$0x10] =	vst.add.f32.msk $0xffff, v1  }
0xb2: {  	v1 =	vld.idx.msk [tilespmem:v0+s28+$0xFFFFFFE0 ss:$0x1], $0xffff;
	_ =	sdelay $0x5  }
0xb3: {  	[tilespmem:s30+$0x20] =	vst.add.f32.msk $0xffff, v1  }
0xb4: {  	v1 =	vld.idx.msk [tilespmem:v0+s28+$0xFFFFFFF0 ss:$0x1], $0xffff;
	_ =	sdelay $0x5  }
0xb5: {  	[tilespmem:s30+$0x30] =	vst.add.f32.msk $0xffff, v1  }
0xb6: {  	v1 =	vld.idx.msk [tilespmem:v0+s28+$0x0 ss:$0x1], $0xffff;
	_ =	sdelay $0x5  }
0xb7: {  	[tilespmem:s30+$0x40] =	vst.add.f32.msk $0xffff, v1  }
0xb8: {  	v1 =	vld.idx.msk [tilespmem:v0+s28+$0x10 ss:$0x1], $0xffff;
	_ =	sdelay $0x5  }
0xb9: {  	[tilespmem:s30+$0x50] =	vst.add.f32.msk $0xffff, v1  }
0xba: {  	v1 =	vld.idx.msk [tilespmem:v0+s28+$0x20 ss:$0x1], $0xffff;
	_ =	sdelay $0x5  }
0xbb: {  	[tilespmem:s30+$0x60] =	vst.add.f32.msk $0xffff, v1  }
0xbc: {  	v1 =	vld.idx.msk [tilespmem:v0+s28+$0x30 ss:$0x1], $0xffff;
	_ =	sdelay $0x1  }
.Ltmp6:
0xbd: {  	(pc) =	sbr.rel @p0 .LBB2_15-.Ltmp6, $2  }
0xbe: {  	_ =	sdelay $0x2  }
0xbf: {  	s28 =	sshra.s32 s29, $0x2;
	s29 =	sadd.s32 $0x1000, s29;
	[tilespmem:s30+$0x70] =	vst.add.f32.msk $0xffff, v1  }
0xc0: {  	_ =	sdelay $0x3  }
0xc1: {  	v1 =	vld.idx.msk [tilespmem:v0+s28+$0xFFFFFFC0 ss:$0x1], $0xffff;
	_ =	sdelay $0x3  }
0xc2: {  	s29 =	sadd.s32 s28, s25  }
0xc3: {  	[tilespmem:s29+$0x0] =	vst.add.f32.msk $0xffff, v1  }
0xc4: {  	v1 =	vld.idx.msk [tilespmem:v0+s28+$0xFFFFFFD0 ss:$0x1], $0xffff;
	_ =	sdelay $0x4  }
0xc5: {  	[tilespmem:s29+$0x10] =	vst.add.f32.msk $0xffff, v1  }
0xc6: {  	v1 =	vld.idx.msk [tilespmem:v0+s28+$0xFFFFFFE0 ss:$0x1], $0xffff;
	_ =	sdelay $0x4  }
0xc7: {  	[tilespmem:s29+$0x20] =	vst.add.f32.msk $0xffff, v1  }
0xc8: {  	v1 =	vld.idx.msk [tilespmem:v0+s28+$0xFFFFFFF0 ss:$0x1], $0xffff;
	_ =	sdelay $0x4  }
0xc9: {  	[tilespmem:s29+$0x30] =	vst.add.f32.msk $0xffff, v1  }
0xca: {  	v1 =	vld.idx.msk [tilespmem:v0+s28+$0x0 ss:$0x1], $0xffff;
	_ =	sdelay $0x4  }
0xcb: {  	[tilespmem:s29+$0x40] =	vst.add.f32.msk $0xffff, v1  }
0xcc: {  	v1 =	vld.idx.msk [tilespmem:v0+s28+$0x10 ss:$0x1], $0xffff;
	_ =	sdelay $0x4  }
0xcd: {  	[tilespmem:s29+$0x50] =	vst.add.f32.msk $0xffff, v1  }
0xce: {  	v1 =	vld.idx.msk [tilespmem:v0+s28+$0x20 ss:$0x1], $0xffff;
	_ =	sdelay $0x4  }
0xcf: {  	s24 =	sadd.s32 $0x1, s24;
	[tilespmem:s29+$0x60] =	vst.add.f32.msk $0xffff, v1  }
0xd0: {  	p0 =	sne.s32 s24, $0x8;
	v63 =	vld.idx.msk [tilespmem:v0+s28+$0x30 ss:$0x1], $0xffff  }
.Ltmp7:
0xd1: {  	_ = 	snop;
	(pc) =	sbr.rel @p0 .LBB2_14-.Ltmp7, $2  }
0xd2: {  	_ =	sdelay $0x2  }
0xd3: {  	s25 =	sadd.s32 $0x80, s25;
	s26 =	sadd.s32 $0x80, s26;
	[tilespmem:s29+$0x70] =	vst.add.f32.msk $0xffff, v63  }
0xd4: {  	[hbm4b:s11+s2] =	stream.linear.scatter [tilespmem:s16], [sflag:$0x5], $0x2000, $0x38;
	[tilespmem:$0x8000] =	vst v63  }
0xd5: {  	_ =	swait.ge [sflag:s21], $0x2000  }
0xd6: {  	[sflag:s21] =	ssyncset.done $0x0  }
0xd7: {  	s23 =	sadd.s32 $0x1, s23;
	[sflag:s21] =	ssyncadd.s32 $0xFFFFE000  }
0xd8: {  	p0 =	sne.s32 s23, s12;
	_ =	swait.ge [sflag:s22], $0x2000  }
.Ltmp8:
0xd9: {  	[sflag:s22] =	ssyncset.done $0x0;
	(pc) =	sbr.rel @p0 .LBB2_1-.Ltmp8, $4  }
0xda: {  	[sflag:s22] =	ssyncadd.s32 $0xFFFFE000  }
0xdb: {  	_ =	swait.ge [sflag:s19], $0x2000  }
0xdc: {  	[sflag:s19] =	ssyncset.done $0x0  }
0xdd: {  	[sflag:s19] =	ssyncadd.s32 $0xFFFFE000  }
0xde: {  	_ =	sfence.sel $0x180000  }
0xdf: {  	[bflag:$0x0] =	sbarrier.arrive $0xFFFF  }
0xe0: {  	p0 =	sne.s32 s1, $0x0;
	_ =	strace $0x90000047  }
0xe1: {  	s0 =	sadd.s32 @!p0 $0x100000, s0;
	[bflag:$0x2] =	sbarrier.arrive $0xFFFF  }
0xe2: {  	[sflag:s0] =	ssyncadd.tile.s32 @!p0 $0x1;
	_ =	shalt  }
.Lfunc_end2:
_tile_overlayer_lowered:
.L_overlay_start_2:
0xe3: {  	(tag) =	ssettag $0x2  }
0xe4: {  	s0 =	rddreg [dreg:$0x0];
	s2 =	stileid.u32  }
0xe5: {  	s1 =	rddreg [dreg:$0x1];
	p0 =	sne.s32 s2, $0x0  }
0xe6: {  	s3 =	rddreg [dreg:$0x2];
	[bflag:$0x3] =	sbarrier.arrive $0xFFFF;
	s2 =	simm.s32 @!p0 $0x1C08  }
0xe7: {  	[timem:s3], [sflag:s2] =	dma.local @!p0 [hbm:s0], s1  }
0xe8: {  	s0 =	simm.s32 @!p0 $0x8  }
0xe9: {  	_ =	swait.ge @!p0 [sflag:s0], s1  }
0xea: {  	s1 =	ssub.s32 @!p0 $0x0, s1;
	[sflag:s0] =	ssyncset.done @!p0 $0x0  }
0xeb: {  	[sflag:s0] =	ssyncadd.s32 @!p0 s1  }
0xec: {  	[bflag:$0x3] =	sbarrier.arrive $0xFFFF  }
0xed: {  	_ =	shalt  }

</sc_bundles>
